<compile_context>
chip_gen: v7x
topology: tpu7x:2x2x1
jax: 0.10.2.dev20260603
libtpu: 0.0.44.dev20260713+nightly
codegen_flags: <defaults>
</compile_context>

<pallas_src>
import functools

import jax
import jax.numpy as jnp
from jax import lax
from jax.experimental import pallas as pl
from jax.experimental.pallas import tpu as pltpu
from jax.experimental.pallas import tpu_sc as plsc

N = 10000
E = 320000
H = 128
NPAD = 10240
NC, NS = 2, 16
NW = NC * NS
CHUNK = 128
NCHUNK = 80
EPAD = NW * NCHUNK * CHUNK
ROWS_PER_TILE = NPAD // NS
OUT_CHUNK = 64
NBUF = 2

_f32 = jnp.float32


def _agg_body(x_hbm, src_hbm, dst_hbm, cnt_hbm, out_hbm,
              sidx_v, didx_v, rows_v, cnt_v, agg_sh, isem, gsem, zsem):
    c = lax.axis_index("c")
    s = lax.axis_index("s")
    wid = s * NC + c

    pltpu.sync_copy(cnt_hbm.at[wid], cnt_v)
    nch = lax.reduce_max(cnt_v[...], axes=(0,))

    def idx_start(j, b):
        pltpu.async_copy(src_hbm.at[wid, j], sidx_v.at[b], isem.at[b])
        pltpu.async_copy(dst_hbm.at[wid, j], didx_v.at[b], isem.at[b])

    def idx_wait(j, b):
        pltpu.make_async_copy(src_hbm.at[wid, j], sidx_v.at[b], isem.at[b]).wait()
        pltpu.make_async_copy(dst_hbm.at[wid, j], didx_v.at[b], isem.at[b]).wait()

    def gather_start(b):
        pltpu.async_copy(x_hbm.at[sidx_v.at[b]], rows_v.at[b], gsem.at[b])

    def gather_wait(b):
        pltpu.make_async_copy(x_hbm.at[sidx_v.at[b]], rows_v.at[b],
                              gsem.at[b]).wait()

    def zstep(r, carry):
        for j in range(H // 16):
            rows_v[0, r, pl.ds(j * 16, 16)] = jnp.zeros((16,), _f32)
        return carry

    lax.fori_loop(0, CHUNK, zstep, 0, unroll=False)
    nz = ROWS_PER_TILE // CHUNK
    for i in range(nz):
        pltpu.async_copy(
            rows_v.at[0],
            agg_sh.at[pl.ds(s * ROWS_PER_TILE + i * CHUNK, CHUNK)], zsem)
    idx_start(0, 0)
    idx_start(1, 1)
    for i in range(nz):
        pltpu.make_async_copy(
            rows_v.at[0],
            agg_sh.at[pl.ds(s * ROWS_PER_TILE + i * CHUNK, CHUNK)], zsem).wait()
    idx_wait(0, 0)
    gather_start(0)
    plsc.subcore_barrier()

    def pair_step(j0, carry):
        j = j0 * 2
        gather_wait(0)
        pltpu.sync_copy(rows_v.at[0], agg_sh.at[didx_v.at[0]], add=True)

        @pl.when(j + 2 < nch)
        def _():
            idx_start(j + 2, 0)

        idx_wait(j + 1, 1)
        gather_start(1)

        gather_wait(1)
        pltpu.sync_copy(rows_v.at[1], agg_sh.at[didx_v.at[1]], add=True)

        @pl.when(j + 3 < nch)
        def _():
            idx_start(j + 3, 1)

        @pl.when(j + 2 < nch)
        def _():
            idx_wait(j + 2, 0)
            gather_start(0)

        return carry

    lax.fori_loop(0, nch // 2, pair_step, 0, unroll=False)
    plsc.subcore_barrier()

    base = s * ROWS_PER_TILE
    pltpu.sync_copy(agg_sh.at[pl.ds(base, ROWS_PER_TILE)],
                    out_hbm.at[c, pl.ds(base, ROWS_PER_TILE)])


@jax.jit
def _sc_agg(x_pad, src_r, dst_r, counts):
    mesh = plsc.VectorSubcoreMesh(core_axis_name="c", subcore_axis_name="s")
    return pl.kernel(
        _agg_body,
        compiler_params=pltpu.CompilerParams(needs_layout_passes=False),
        out_type=jax.ShapeDtypeStruct((NC, NPAD, H), _f32),
        mesh=mesh,
        scratch_types=[
            pltpu.VMEM((NBUF, CHUNK), jnp.int32),
            pltpu.VMEM((NBUF, CHUNK), jnp.int32),
            pltpu.VMEM((NBUF, CHUNK, H), _f32),
            pltpu.VMEM((16,), jnp.int32),
            pltpu.VMEM_SHARED((NPAD, H), _f32),
            pltpu.SemaphoreType.DMA((NBUF,)),
            pltpu.SemaphoreType.DMA((NBUF,)),
            pltpu.SemaphoreType.DMA,
        ],
    )(x_pad, src_r, dst_r, counts)


_PADV = NPAD - 1
_VPC = CHUNK // 16


def _filter_body(src_hbm, dst_hbm, keep_hbm, cin_hbm, osrc_hbm, odst_hbm,
                 cnt_hbm, keep_v, sidx_v, didx_v, osrc_v, odst_v, cnt_v,
                 cin_v, pad_v):
    c = lax.axis_index("c")
    s = lax.axis_index("s")
    wid = s * NC + c

    pltpu.sync_copy(cin_hbm.at[wid], cin_v)
    nch_in = lax.reduce_max(cin_v[...], axes=(0,))
    pltpu.sync_copy(keep_hbm, keep_v)
    pltpu.sync_copy(src_hbm.at[wid], sidx_v)
    pltpu.sync_copy(dst_hbm.at[wid], didx_v)

    for i in range(16):
        pad_v[pl.ds(i * 16, 16)] = jnp.full((16,), _PADV, jnp.int32)

    def step(i, carry):
        cnt, cnt_vec = carry
        sv = sidx_v[pl.ds(i * 16, 16)]
        dv = didx_v[pl.ds(i * 16, 16)]
        ks = plsc.load_gather(keep_v, [sv >> 7, sv & 127])
        kd = plsc.load_gather(keep_v, [dv >> 7, dv & 127])
        m = (ks > 0.5) & (kd > 0.5)
        plsc.store_compressed(osrc_v.at[pl.ds(cnt, 16)], sv, mask=m)
        plsc.store_compressed(odst_v.at[pl.ds(cnt, 16)], dv, mask=m)
        npop = plsc.all_reduce_population_count(m)
        return cnt + lax.reduce_max(npop, axes=(0,)), cnt_vec + npop

    cnt, cnt_vec = lax.fori_loop(
        0, nch_in * _VPC, step,
        (jnp.int32(0), jnp.zeros((16,), jnp.int32)), unroll=False)

    def pad_step(i, carry):
        base = cnt + i * 16
        osrc_v[pl.ds(base, 16)] = pad_v[pl.ds(0, 16)]
        odst_v[pl.ds(base, 16)] = pad_v[pl.ds(0, 16)]
        return carry

    lax.fori_loop(0, 17, pad_step, 0, unroll=False)

    cnt_v[...] = jnp.maximum((cnt_vec + 255) // 256 * 2, 2)
    pltpu.sync_copy(cnt_v, cnt_hbm.at[wid])
    pltpu.sync_copy(osrc_v.at[pl.ds(0, NCHUNK * CHUNK)], osrc_hbm.at[wid])
    pltpu.sync_copy(odst_v.at[pl.ds(0, NCHUNK * CHUNK)], odst_hbm.at[wid])


@jax.jit
def _sc_filter(src_r, dst_r, keep, counts_in):
    mesh = plsc.VectorSubcoreMesh(core_axis_name="c", subcore_axis_name="s")
    src_f = src_r.reshape(NW, NCHUNK * CHUNK)
    dst_f = dst_r.reshape(NW, NCHUNK * CHUNK)
    osrc, odst, counts = pl.kernel(
        _filter_body,
        compiler_params=pltpu.CompilerParams(use_tc_tiling_on_sc=False,
                                             needs_layout_passes=False),
        out_type=(
            jax.ShapeDtypeStruct((NW, NCHUNK * CHUNK), jnp.int32),
            jax.ShapeDtypeStruct((NW, NCHUNK * CHUNK), jnp.int32),
            jax.ShapeDtypeStruct((NW, 16), jnp.int32),
        ),
        mesh=mesh,
        scratch_types=[
            pltpu.VMEM((NPAD // 128, 128), _f32),
            pltpu.VMEM((NCHUNK * CHUNK,), jnp.int32),
            pltpu.VMEM((NCHUNK * CHUNK,), jnp.int32),
            pltpu.VMEM((NCHUNK * CHUNK + 512,), jnp.int32),
            pltpu.VMEM((NCHUNK * CHUNK + 512,), jnp.int32),
            pltpu.VMEM((16,), jnp.int32),
            pltpu.VMEM((16,), jnp.int32),
            pltpu.VMEM((256,), jnp.int32),
        ],
    )(src_f, dst_f, keep.reshape(NPAD // 128, 128), counts_in)
    return (osrc.reshape(NW, NCHUNK, CHUNK), odst.reshape(NW, NCHUNK, CHUNK),
            counts)


CHUNK_A = 64


def _fagg_body(x_hbm, src_hbm, dst_hbm, keepb_hbm, cin_hbm,
               out_hbm, osrc_hbm, odst_hbm, cnt_hbm,
               keepb_v, fsrc_v, fdst_v, osrc_v, odst_v, didx2_v, rows_v,
               cnt_v, cin_v, agg_sh, fisem, gsem, zsem):
    c = lax.axis_index("c")
    s = lax.axis_index("s")
    wid = s * NC + c

    pltpu.sync_copy(cin_hbm.at[wid], cin_v)
    nch_in = lax.reduce_max(cin_v[...], axes=(0,))
    pltpu.sync_copy(keepb_hbm, keepb_v)

    def fidx_start(j, b):
        pltpu.async_copy(src_hbm.at[wid, j], fsrc_v.at[b], fisem.at[b])
        pltpu.async_copy(dst_hbm.at[wid, j], fdst_v.at[b], fisem.at[b])

    def fidx_wait(j, b):
        pltpu.make_async_copy(src_hbm.at[wid, j], fsrc_v.at[b],
                              fisem.at[b]).wait()
        pltpu.make_async_copy(dst_hbm.at[wid, j], fdst_v.at[b],
                              fisem.at[b]).wait()

    def keep_of(v):
        kw = plsc.load_gather(keepb_v, [v >> 9, (v >> 5) & 15])
        return jax.lax.shift_right_logical(kw, v & 31) & 1

    fidx_start(0, 0)
    fidx_start(1, 1)

    def fpair(j0, carry):
        cnt, cnt_vec = carry
        for b in range(2):
            j = j0 * 2 + b
            fidx_wait(j, b)
            for v in range(_VPC):
                sv = fsrc_v[b, pl.ds(v * 16, 16)]
                dv = fdst_v[b, pl.ds(v * 16, 16)]
                m = (keep_of(sv) & keep_of(dv)) > 0
                plsc.store_compressed(osrc_v.at[pl.ds(cnt, 16)], sv, mask=m)
                plsc.store_compressed(odst_v.at[pl.ds(cnt, 16)], dv, mask=m)
                npop = plsc.all_reduce_population_count(m)
                cnt = cnt + lax.reduce_max(npop, axes=(0,))
                cnt_vec = cnt_vec + npop

            @pl.when(j + 2 < nch_in)
            def _():
                fidx_start(j + 2, b)

        return cnt, cnt_vec

    cnt, cnt_vec = lax.fori_loop(
        0, nch_in // 2, fpair,
        (jnp.int32(0), jnp.zeros((16,), jnp.int32)), unroll=False)

    def pad_step(i, carry):
        base = cnt + i * 16
        osrc_v[pl.ds(base, 16)] = jnp.full((16,), _PADV, jnp.int32)
        odst_v[pl.ds(base, 16)] = jnp.full((16,), _PADV, jnp.int32)
        return carry

    lax.fori_loop(0, 17, pad_step, 0, unroll=False)

    cnt_v[...] = jnp.maximum((cnt_vec + 255) // 256 * 2, 2)
    nch_out = lax.reduce_max(cnt_v[...], axes=(0,))
    pltpu.sync_copy(cnt_v, cnt_hbm.at[wid])
    pltpu.sync_copy(osrc_v.at[pl.ds(0, NCHUNK * CHUNK)], osrc_hbm.at[wid])
    pltpu.sync_copy(odst_v.at[pl.ds(0, NCHUNK * CHUNK)], odst_hbm.at[wid])

    def zstep(r, carry):
        for j in range(H // 16):
            rows_v[0, r, pl.ds(j * 16, 16)] = jnp.zeros((16,), _f32)
        return carry

    lax.fori_loop(0, CHUNK_A, zstep, 0, unroll=False)
    nz = ROWS_PER_TILE // CHUNK_A
    for i in range(nz):
        pltpu.async_copy(
            rows_v.at[0],
            agg_sh.at[pl.ds(s * ROWS_PER_TILE + i * CHUNK_A, CHUNK_A)], zsem)
    for i in range(nz):
        pltpu.make_async_copy(
            rows_v.at[0],
            agg_sh.at[pl.ds(s * ROWS_PER_TILE + i * CHUNK_A, CHUNK_A)],
            zsem).wait()
    plsc.subcore_barrier()

    def gstart(j, b):
        for v in range(CHUNK_A // 16):
            didx2_v[b, pl.ds(v * 16, 16)] = odst_v[pl.ds(j * CHUNK_A + v * 16,
                                                         16)]
        pltpu.async_copy(x_hbm.at[osrc_v.at[pl.ds(j * CHUNK_A, CHUNK_A)]],
                         rows_v.at[b], gsem.at[b])

    def gwait(j, b):
        pltpu.make_async_copy(
            x_hbm.at[osrc_v.at[pl.ds(j * CHUNK_A, CHUNK_A)]],
            rows_v.at[b], gsem.at[b]).wait()

    nlim = nch_out * (CHUNK // CHUNK_A)
    gstart(0, 0)
    gstart(1, 1)

    def apair(j0, carry):
        for b in range(2):
            j = j0 * 2 + b
            gwait(j, b)
            pltpu.sync_copy(rows_v.at[b], agg_sh.at[didx2_v.at[b]], add=True)

            @pl.when(j + 2 < nlim)
            def _():
                gstart(j + 2, b)

        return carry

    lax.fori_loop(0, nlim // 2, apair, 0, unroll=False)
    plsc.subcore_barrier()

    base = s * ROWS_PER_TILE
    pltpu.sync_copy(agg_sh.at[pl.ds(base, ROWS_PER_TILE)],
                    out_hbm.at[c, pl.ds(base, ROWS_PER_TILE)])


@jax.jit
def _sc_fagg(x_pad, src_r, dst_r, keepb, counts_in):
    mesh = plsc.VectorSubcoreMesh(core_axis_name="c", subcore_axis_name="s")
    return pl.kernel(
        _fagg_body,
        compiler_params=pltpu.CompilerParams(use_tc_tiling_on_sc=False,
                                             needs_layout_passes=False),
        out_type=(
            jax.ShapeDtypeStruct((NC, NPAD, H), _f32),
            jax.ShapeDtypeStruct((NW, NCHUNK * CHUNK), jnp.int32),
            jax.ShapeDtypeStruct((NW, NCHUNK * CHUNK), jnp.int32),
            jax.ShapeDtypeStruct((NW, 16), jnp.int32),
        ),
        mesh=mesh,
        scratch_types=[
            pltpu.VMEM((NPAD // 512, 16), jnp.int32),
            pltpu.VMEM((2, CHUNK), jnp.int32),
            pltpu.VMEM((2, CHUNK), jnp.int32),
            pltpu.VMEM((NCHUNK * CHUNK + 512,), jnp.int32),
            pltpu.VMEM((NCHUNK * CHUNK + 512,), jnp.int32),
            pltpu.VMEM((2, CHUNK_A), jnp.int32),
            pltpu.VMEM((2, CHUNK_A, H), _f32),
            pltpu.VMEM((16,), jnp.int32),
            pltpu.VMEM((16,), jnp.int32),
            pltpu.VMEM_SHARED((NPAD, H), _f32),
            pltpu.SemaphoreType.DMA((2,)),
            pltpu.SemaphoreType.DMA((2,)),
            pltpu.SemaphoreType.DMA,
        ],
    )(x_pad, src_r, dst_r, keepb, counts_in)


_BLK = 512


def _mlp_body(x_ref, a_ref, m_ref, w0_ref, b0_ref, w1_ref, b1_ref, o_ref):
    h = x_ref[...] + a_ref[0] + a_ref[1]
    h = jnp.maximum(
        jax.lax.dot_general(h, w0_ref[...], (((1,), (0,)), ((), ())),
                            precision=jax.lax.Precision.DEFAULT) + b0_ref[...], 0.0)
    h = jax.lax.dot_general(h, w1_ref[...], (((1,), (0,)), ((), ())),
                            precision=jax.lax.Precision.DEFAULT) + b1_ref[...]
    o_ref[...] = jnp.maximum(h, 0.0) * m_ref[...]


@jax.jit
def _tc_mlp(x_pad, agg, mask_col, W0, b0, W1, b1):
    grid = NPAD // _BLK
    return pl.pallas_call(
        _mlp_body,
        grid=(grid,),
        in_specs=[
            pl.BlockSpec((_BLK, H), lambda i: (i, 0)),
            pl.BlockSpec((NC, _BLK, H), lambda i: (0, i, 0)),
            pl.BlockSpec((_BLK, 1), lambda i: (i, 0)),
            pl.BlockSpec((H, H), lambda i: (0, 0)),
            pl.BlockSpec((1, H), lambda i: (0, 0)),
            pl.BlockSpec((H, H), lambda i: (0, 0)),
            pl.BlockSpec((1, H), lambda i: (0, 0)),
        ],
        out_specs=pl.BlockSpec((_BLK, H), lambda i: (i, 0)),
        out_shape=jax.ShapeDtypeStruct((NPAD, H), _f32),
    )(x_pad, agg, mask_col, W0, b0[None, :], W1, b1[None, :])


def _epilogue_body(k, x_ref, m_ref, w_ref, p1_ref, c1_ref, p2_ref, c2_ref,
                   g0_ref, g1_ref,
                   xo_ref, mo_ref, gs_ref, pj_ref, out_ref):
    x = x_ref[...]
    alive = m_ref[...] > 0.5
    kf = jnp.float32(k)

    p = jnp.sum(x, axis=0, keepdims=True)
    ph = jnp.maximum(
        jax.lax.dot_general(p, p1_ref[...], (((1,), (0,)), ((), ())),
                            precision=jax.lax.Precision.DEFAULT) + c1_ref[...], 0.0)
    pj_ref[...] = jax.lax.dot_general(ph, p2_ref[...], (((1,), (0,)), ((), ())),
                                      precision=jax.lax.Precision.DEFAULT) + c2_ref[...]

    w = w_ref[...]
    raw = jax.lax.dot_general(x, w, (((1,), (0,)), ((), ())),
                              precision=jax.lax.Precision.DEFAULT)
    score = raw / jnp.sqrt(jnp.sum(w * w))

    s = jax.lax.bitcast_convert_type(raw, jnp.int32)
    key = s ^ jnp.where(s < 0, jnp.int32(0x7FFFFFFF), jnp.int32(0))

    def cnt_ge(t):
        return jnp.sum(jnp.where(alive & (key >= t), 1.0, 0.0))

    T0 = jnp.where(cnt_ge(jnp.int32(0)) >= kf, jnp.int32(0), jnp.int32(-(2**31)))

    def t_step(i, t):
        cand = t | (jnp.int32(1) << (30 - i))
        return jnp.where(cnt_ge(cand) >= kf, cand, t)

    T = lax.fori_loop(0, 31, t_step, T0)

    gt = alive & (key > T)
    eq = alive & (key == T)
    n_gt = jnp.sum(jnp.where(gt, 1.0, 0.0))
    need_eq = kf - n_gt

    idx = jax.lax.broadcasted_iota(jnp.int32, (NPAD, 1), 0)

    def i_step(i, t):
        cand = t | (jnp.int32(1) << (13 - i))
        cnt = jnp.sum(jnp.where(eq & (idx < cand), 1.0, 0.0))
        return jnp.where(cnt < need_eq, cand, t)

    tmax = lax.fori_loop(0, 14, i_step, jnp.int32(0))
    keep = gt | (eq & (idx <= tmax) & (need_eq > 0.0))

    gate = jnp.tanh(score)
    xg = jnp.where(keep, x * gate, 0.0)
    gmax = jnp.max(jnp.where(keep, xg, -jnp.inf), axis=0, keepdims=True)
    gmean = jnp.sum(xg, axis=0, keepdims=True) / kf
    gs = jnp.concatenate([gmax, gmean], axis=1)

    xo_ref[...] = xg
    mo_ref[...] = jnp.where(keep, 1.0, 0.0)
    gs_ref[...] = gs
    out_ref[...] = (jnp.maximum(g0_ref[...], 0.0) + jnp.maximum(g1_ref[...], 0.0)
                    + jnp.maximum(gs, 0.0))


@functools.partial(jax.jit, static_argnums=(0,))
def _tc_epilogue(k, x_pad, mask_col, pool_w, P1, c1, P2, c2, gs0, gs1):
    return pl.pallas_call(
        functools.partial(_epilogue_body, k),
        out_shape=(
            jax.ShapeDtypeStruct((NPAD, H), _f32),
            jax.ShapeDtypeStruct((NPAD, 1), _f32),
            jax.ShapeDtypeStruct((1, 2 * H), _f32),
            jax.ShapeDtypeStruct((1, H), _f32),
            jax.ShapeDtypeStruct((1, 2 * H), _f32),
        ),
    )(x_pad, mask_col, pool_w[:, None], P1, c1[None, :], P2, c2[None, :], gs0, gs1)


def kernel(x, edge_index, batch, gin_W, gin_b, proj_W1, proj_b1, proj_W2,
           proj_b2, pool_w):
    src = edge_index[0]
    dst = edge_index[1]
    pad_id = jnp.int32(NPAD - 1)
    src_r = jnp.concatenate(
        [src, jnp.full((EPAD - E,), pad_id, jnp.int32)]).reshape(NW, NCHUNK, CHUNK)
    dst_r = jnp.concatenate(
        [dst, jnp.full((EPAD - E,), pad_id, jnp.int32)]).reshape(NW, NCHUNK, CHUNK)

    h = jnp.zeros((NPAD, H), _f32).at[:N].set(x)
    mask = (jnp.arange(NPAD, dtype=jnp.int32) < N).astype(_f32)[:, None]

    ks = [5000, 2500, 1250]
    gs_list = []
    proj_list = []
    zero_gs = jnp.zeros((1, 2 * H), _f32)
    counts = jnp.full((NW, 16), NCHUNK, jnp.int32)
    w16 = (2.0 ** jnp.arange(16)).astype(_f32)
    keepb = None
    out = None
    for i in range(3):
        for l in range(2):
            if l == 0 and i > 0:
                agg, osrc, odst, counts = _sc_fagg(h, src_r, dst_r, keepb,
                                                   counts)
                src_r = osrc.reshape(NW, NCHUNK, CHUNK)
                dst_r = odst.reshape(NW, NCHUNK, CHUNK)
            else:
                agg = _sc_agg(h, src_r, dst_r, counts)
            h = _tc_mlp(h, agg, mask, gin_W[i, l, 0], gin_b[i, l, 0],
                        gin_W[i, l, 1], gin_b[i, l, 1])
        g0 = gs_list[0] if i == 2 else zero_gs
        g1 = gs_list[1] if i == 2 else zero_gs
        h, mask, gs, pj, out = _tc_epilogue(
            ks[i], h, mask, pool_w[i], proj_W1[i], proj_b1[i], proj_W2[i],
            proj_b2[i], g0, g1)
        gs_list.append(gs)
        proj_list.append(pj)
        if i < 2:
            m2 = mask[:, 0].reshape(NPAD // 32, 32)
            lo = jnp.sum(m2[:, :16] * w16, axis=1).astype(jnp.int32)
            hi = jnp.sum(m2[:, 16:] * w16, axis=1).astype(jnp.int32)
            keepb = (lo | (hi << 16)).reshape(NPAD // 512, 16)

    return (out, gs_list[0], gs_list[1], gs_list[2],
            proj_list[0], proj_list[1], proj_list[2])

# --- scband reference (transcript-rebuilt; emitter-appended) ---
"""Pipeline reference for scband-hnet-69630009802967 (READ-ONLY COPY).

The authoritative reference and input builder live on the scoring server;
editing this copy changes nothing except your own understanding.
"""

import jax, jax.numpy as jnp
import numpy as np

NUM_LAYERS = 2
RATIO = 0.5


def setup_inputs(seed: int = 0):
    key = jax.random.key(seed)
    ks = jax.random.split(key, 8)
    N, E, F, H = 10000, 320000, 128, 128
    s = 1.0 / np.sqrt(H)
    x = jax.random.normal(ks[0], (N, F), dtype=jnp.float32)
    edge_index = jax.random.randint(ks[1], (2, E), 0, N, dtype=jnp.int32)
    batch = jnp.zeros((N,), dtype=jnp.int32)
    gin_W = jax.random.normal(ks[2], (3, NUM_LAYERS, 2, H, H), dtype=jnp.float32) * s
    gin_b = jnp.zeros((3, NUM_LAYERS, 2, H), dtype=jnp.float32)
    proj_W1 = jax.random.normal(ks[3], (3, H, H), dtype=jnp.float32) * s
    proj_b1 = jnp.zeros((3, H), dtype=jnp.float32)
    proj_W2 = jax.random.normal(ks[4], (3, H, 128), dtype=jnp.float32) * s
    proj_b2 = jnp.zeros((3, 128), dtype=jnp.float32)
    pool_w = jax.random.normal(ks[5], (3, H), dtype=jnp.float32) * s
    return {"x": x, "edge_index": edge_index, "batch": batch, "gin_W": gin_W, "gin_b": gin_b, "proj_W1": proj_W1, "proj_b1": proj_b1, "proj_W2": proj_W2, "proj_b2": proj_b2, "pool_w": pool_w}


def _gin(x, src, dst, emask, Ws, bs):
    # stack of GINConv layers: h = MLP(x + sum_{j in N(i)} x_j), ReLU between layers
    for l in range(Ws.shape[0]):
        msg = x[src] * emask[:, None]
        agg = jnp.zeros_like(x).at[dst].add(msg)
        h = x + agg
        h = jax.nn.relu(h @ Ws[l, 0] + bs[l, 0])
        h = h @ Ws[l, 1] + bs[l, 1]
        x = jax.nn.relu(h)
    # graph-level readout (single graph: batch is all zeros -> global add pool)
    p = jnp.sum(x, axis=0, keepdims=True)
    return x, p


def _mlp(p, W1, b1, W2, b2):
    return jax.nn.relu(p @ W1 + b1) @ W2 + b2


def _topk_pool(x, src, dst, emask, w, k):
    # PyG TopKPooling: score = x.w/||w||, keep top ceil(ratio*N), gate by tanh(score)
    score = (x @ w) / jnp.linalg.norm(w)
    vals, perm = jax.lax.top_k(score, k)
    x_new = x[perm] * jnp.tanh(vals)[:, None]
    N = x.shape[0]
    mapping = jnp.full((N,), -1, dtype=jnp.int32).at[perm].set(jnp.arange(k, dtype=jnp.int32))
    keep = (mapping[src] >= 0) & (mapping[dst] >= 0) & (emask > 0)
    new_src = jnp.where(keep, mapping[src], 0)
    new_dst = jnp.where(keep, mapping[dst], 0)
    return x_new, new_src, new_dst, keep.astype(x.dtype)


def _readout(x):
    # gmp || gap over the single graph
    return jnp.concatenate([jnp.max(x, axis=0, keepdims=True), jnp.mean(x, axis=0, keepdims=True)], axis=1)


def _forward(x, edge_index, gin_W, gin_b, proj_W1, proj_b1, proj_W2, proj_b2, pool_w):
    src = edge_index[0]
    dst = edge_index[1]
    emask = jnp.ones((src.shape[0],), dtype=x.dtype)
    n = x.shape[0]
    ks = []
    for _ in range(3):
        n = int(np.ceil(RATIO * n))
        ks.append(n)
    gs = []
    projs = []
    h = x
    for i in range(3):
        h, p = _gin(h, src, dst, emask, gin_W[i], gin_b[i])
        projs.append(_mlp(p, proj_W1[i], proj_b1[i], proj_W2[i], proj_b2[i]))
        h, src, dst, emask = _topk_pool(h, src, dst, emask, pool_w[i], ks[i])
        gs.append(_readout(h))
    out = jax.nn.relu(gs[0]) + jax.nn.relu(gs[1]) + jax.nn.relu(gs[2])
    return (out, gs[0], gs[1], gs[2], projs[0], projs[1], projs[2])


def reference(x, edge_index, batch, gin_W, gin_b, proj_W1, proj_b1, proj_W2, proj_b2, pool_w):
    return _forward(x, edge_index, gin_W, gin_b, proj_W1, proj_b1, proj_W2, proj_b2, pool_w)

if __name__ == "__main__":
    import jax
    _d = setup_inputs()
    print(jax.jit(kernel)(*tuple(_d.values())))

</pallas_src>

<mosaic_0001>
#map = affine_map<(d0, d1) -> (0, 0)>
#map1 = affine_map<(d0, d1) -> (0, 0, 0)>
module attributes {stable_mosaic.version = 14 : i64} {
  func.func @_agg_body(%arg0: i32, %arg1: i32, %arg2: memref<10240x128xf32, #tpu.memory_space<hbm>>, %arg3: memref<32x80x128xi32, #tpu.memory_space<hbm>>, %arg4: memref<32x80x128xi32, #tpu.memory_space<hbm>>, %arg5: memref<32x16xi32, #tpu.memory_space<hbm>>, %arg6: memref<2x10240x128xf32, #tpu.memory_space<hbm>>, %arg7: memref<2x128xi32, #tpu.memory_space<vmem>>, %arg8: memref<2x128xi32, #tpu.memory_space<vmem>>, %arg9: memref<2x128x128xf32, #tpu.memory_space<vmem>>, %arg10: memref<16xi32, #tpu.memory_space<vmem>>, %arg11: memref<10240x128xf32, #tpu.memory_space<vmem_shared>>, %arg12: memref<2x!tpu.dma_semaphore, #tpu.memory_space<semaphore_mem>>, %arg13: memref<2x!tpu.dma_semaphore, #tpu.memory_space<semaphore_mem>>, %arg14: memref<!tpu.dma_semaphore, #tpu.memory_space<semaphore_mem>>) attributes {dimension_semantics = [#tpu.dimension_semantics<core_parallel>, #tpu.dimension_semantics<subcore_parallel>], iteration_bounds = array<i64: 2, 16>, scalar_prefetch = 0 : i64, scratch_operands = 8 : i64, tpu.core_type = #tpu.core_type<sc_vector_subcore>, window_params = [{transform_indices = #map}, {transform_indices = #map1}, {transform_indices = #map1}, {transform_indices = #map}, {transform_indices = #map1}]} {
    %mul3A = arith.constant 2 : i32
    %mul3A_0 = arith.muli %arg1, %mul3A : i32
    %add3A = arith.addi %mul3A_0, %arg0 : i32
    "tpu.region"() ({
      %run_scoped3A = tpu.sem_alloc : memref<!tpu.dma_semaphore, #tpu.memory_space<semaphore_mem>>
      %dma_start3A_327 = arith.constant 0 : i32
      %dma_start3A_328 = tpu.memref_slice %arg5[%add3A, %dma_start3A_327] : memref<32x16xi32, #tpu.memory_space<hbm>> -> memref<1x16xi32, #tpu.memory_space<hbm>>
      %dma_start3A_329 = tpu.memref_squeeze %dma_start3A_328 : memref<1x16xi32, #tpu.memory_space<hbm>> -> memref<16xi32, #tpu.memory_space<hbm>>
      %dma_start3A_330 = arith.constant 0 : i32
      %dma_start3A_331 = tpu.memref_slice %arg5[%add3A, %dma_start3A_330] : memref<32x16xi32, #tpu.memory_space<hbm>> -> memref<1x16xi32, #tpu.memory_space<hbm>>
      %dma_start3A_332 = tpu.memref_squeeze %dma_start3A_331 : memref<1x16xi32, #tpu.memory_space<hbm>> -> memref<16xi32, #tpu.memory_space<hbm>>
      tpu.enqueue_dma source(%dma_start3A_332 : memref<16xi32, #tpu.memory_space<hbm>>) target(%arg10 : memref<16xi32, #tpu.memory_space<vmem>>) target_semaphore(%run_scoped3A : memref<!tpu.dma_semaphore, #tpu.memory_space<semaphore_mem>>)
      %dma_wait3A_333 = arith.constant 0 : i32
      %dma_wait3A_334 = tpu.memref_slice %arg5[%add3A, %dma_wait3A_333] : memref<32x16xi32, #tpu.memory_space<hbm>> -> memref<1x16xi32, #tpu.memory_space<hbm>>
      %dma_wait3A_335 = tpu.memref_squeeze %dma_wait3A_334 : memref<1x16xi32, #tpu.memory_space<hbm>> -> memref<16xi32, #tpu.memory_space<hbm>>
      %dma_wait3A_336 = arith.constant 0 : i32
      %dma_wait3A_337 = tpu.memref_slice %arg5[%add3A, %dma_wait3A_336] : memref<32x16xi32, #tpu.memory_space<hbm>> -> memref<1x16xi32, #tpu.memory_space<hbm>>
      %dma_wait3A_338 = tpu.memref_squeeze %dma_wait3A_337 : memref<1x16xi32, #tpu.memory_space<hbm>> -> memref<16xi32, #tpu.memory_space<hbm>>
      tpu.wait_dma2 semaphore(%run_scoped3A : memref<!tpu.dma_semaphore, #tpu.memory_space<semaphore_mem>>) src(%dma_wait3A_338 : memref<16xi32, #tpu.memory_space<hbm>>) dst(%arg10 : memref<16xi32, #tpu.memory_space<vmem>>)
      tpu.yield
    }) : () -> ()
    %get3A = arith.constant 0 : index
    %get3A_1 = tpu.vector_load %arg10[%get3A] {strides = array<i32>} : memref<16xi32, #tpu.memory_space<vmem>>, vector<16xi32>,
    %reduce_max3A = arith.constant true
    %reduce_max3A_2 = vector.broadcast %reduce_max3A : i1 to vector<16xi1>
    %reduce_max3A_3 = arith.constant -2147483648 : i32
    %reduce_max3A_4 = vector.broadcast %reduce_max3A_3 : i32 to vector<16xi32>
    %reduce_max3A_5 = arith.xori %get3A_1, %reduce_max3A_4 : vector<16xi32>
    %reduce_max3A_6 = tpu.scan <max>, %reduce_max3A_5 masked %reduce_max3A_2 : vector<16xi32>, vector<16xi1> -> vector<16xi32>
    %reduce_max3A_7 = arith.xori %reduce_max3A_6, %reduce_max3A_4 : vector<16xi32>
    %reduce_max3A_8 = vector.extract %reduce_max3A_7[15] : i32 from vector<16xi32>
    %scan3A = arith.constant 0 : i32
    %scan3A_9 = arith.constant 0 : i32
    %scan3A_10 = arith.constant 128 : i32
    %scan3A_11 = arith.addi %scan3A_9, %scan3A_10 : i32
    %scan3A_12 = arith.constant 1 : i32
    scf.for %scan3A_327 = %scan3A_9 to %scan3A_11 step %scan3A_12  : i32 {
      %broadcast_in_dim3A = arith.constant 0.000000e+00 : f32
      %broadcast_in_dim3A_328 = vector.broadcast %broadcast_in_dim3A : f32 to vector<16xf32>
      %swap3A = arith.constant 0 : i32
      %swap3A_329 = arith.index_cast %swap3A : i32 to index
      %swap3A_330 = arith.index_cast %scan3A_327 : i32 to index
      %swap3A_331 = arith.constant 0 : index
      %swap3A_332 = tpu.vector_load %arg9[%swap3A_329, %swap3A_330, %swap3A_331] {strides = array<i32>} : memref<2x128x128xf32, #tpu.memory_space<vmem>>, vector<16xf32>,
      tpu.vector_store %arg9[%swap3A_329, %swap3A_330, %swap3A_331], %broadcast_in_dim3A_328 {strides = array<i32>} : memref<2x128x128xf32, #tpu.memory_space<vmem>>, vector<16xf32>,
      %broadcast_in_dim3A_333 = arith.constant 0.000000e+00 : f32
      %broadcast_in_dim3A_334 = vector.broadcast %broadcast_in_dim3A_333 : f32 to vector<16xf32>
      %swap3A_335 = arith.constant 0 : i32
      %swap3A_336 = arith.index_cast %swap3A_335 : i32 to index
      %swap3A_337 = arith.index_cast %scan3A_327 : i32 to index
      %swap3A_338 = arith.constant 16 : index
      %swap3A_339 = tpu.vector_load %arg9[%swap3A_336, %swap3A_337, %swap3A_338] {strides = array<i32>} : memref<2x128x128xf32, #tpu.memory_space<vmem>>, vector<16xf32>,
      tpu.vector_store %arg9[%swap3A_336, %swap3A_337, %swap3A_338], %broadcast_in_dim3A_334 {strides = array<i32>} : memref<2x128x128xf32, #tpu.memory_space<vmem>>, vector<16xf32>,
      %broadcast_in_dim3A_340 = arith.constant 0.000000e+00 : f32
      %broadcast_in_dim3A_341 = vector.broadcast %broadcast_in_dim3A_340 : f32 to vector<16xf32>
      %swap3A_342 = arith.constant 0 : i32
      %swap3A_343 = arith.index_cast %swap3A_342 : i32 to index
      %swap3A_344 = arith.index_cast %scan3A_327 : i32 to index
      %swap3A_345 = arith.constant 32 : index
      %swap3A_346 = tpu.vector_load %arg9[%swap3A_343, %swap3A_344, %swap3A_345] {strides = array<i32>} : memref<2x128x128xf32, #tpu.memory_space<vmem>>, vector<16xf32>,
      tpu.vector_store %arg9[%swap3A_343, %swap3A_344, %swap3A_345], %broadcast_in_dim3A_341 {strides = array<i32>} : memref<2x128x128xf32, #tpu.memory_space<vmem>>, vector<16xf32>,
      %broadcast_in_dim3A_347 = arith.constant 0.000000e+00 : f32
      %broadcast_in_dim3A_348 = vector.broadcast %broadcast_in_dim3A_347 : f32 to vector<16xf32>
      %swap3A_349 = arith.constant 0 : i32
      %swap3A_350 = arith.index_cast %swap3A_349 : i32 to index
      %swap3A_351 = arith.index_cast %scan3A_327 : i32 to index
      %swap3A_352 = arith.constant 48 : index
      %swap3A_353 = tpu.vector_load %arg9[%swap3A_350, %swap3A_351, %swap3A_352] {strides = array<i32>} : memref<2x128x128xf32, #tpu.memory_space<vmem>>, vector<16xf32>,
      tpu.vector_store %arg9[%swap3A_350, %swap3A_351, %swap3A_352], %broadcast_in_dim3A_348 {strides = array<i32>} : memref<2x128x128xf32, #tpu.memory_space<vmem>>, vector<16xf32>,
      %broadcast_in_dim3A_354 = arith.constant 0.000000e+00 : f32
      %broadcast_in_dim3A_355 = vector.broadcast %broadcast_in_dim3A_354 : f32 to vector<16xf32>
      %swap3A_356 = arith.constant 0 : i32
      %swap3A_357 = arith.index_cast %swap3A_356 : i32 to index
      %swap3A_358 = arith.index_cast %scan3A_327 : i32 to index
      %swap3A_359 = arith.constant 64 : index
      %swap3A_360 = tpu.vector_load %arg9[%swap3A_357, %swap3A_358, %swap3A_359] {strides = array<i32>} : memref<2x128x128xf32, #tpu.memory_space<vmem>>, vector<16xf32>,
      tpu.vector_store %arg9[%swap3A_357, %swap3A_358, %swap3A_359], %broadcast_in_dim3A_355 {strides = array<i32>} : memref<2x128x128xf32, #tpu.memory_space<vmem>>, vector<16xf32>,
      %broadcast_in_dim3A_361 = arith.constant 0.000000e+00 : f32
      %broadcast_in_dim3A_362 = vector.broadcast %broadcast_in_dim3A_361 : f32 to vector<16xf32>
      %swap3A_363 = arith.constant 0 : i32
      %swap3A_364 = arith.index_cast %swap3A_363 : i32 to index
      %swap3A_365 = arith.index_cast %scan3A_327 : i32 to index
      %swap3A_366 = arith.constant 80 : index
      %swap3A_367 = tpu.vector_load %arg9[%swap3A_364, %swap3A_365, %swap3A_366] {strides = array<i32>} : memref<2x128x128xf32, #tpu.memory_space<vmem>>, vector<16xf32>,
      tpu.vector_store %arg9[%swap3A_364, %swap3A_365, %swap3A_366], %broadcast_in_dim3A_362 {strides = array<i32>} : memref<2x128x128xf32, #tpu.memory_space<vmem>>, vector<16xf32>,
      %broadcast_in_dim3A_368 = arith.constant 0.000000e+00 : f32
      %broadcast_in_dim3A_369 = vector.broadcast %broadcast_in_dim3A_368 : f32 to vector<16xf32>
      %swap3A_370 = arith.constant 0 : i32
      %swap3A_371 = arith.index_cast %swap3A_370 : i32 to index
      %swap3A_372 = arith.index_cast %scan3A_327 : i32 to index
      %swap3A_373 = arith.constant 96 : index
      %swap3A_374 = tpu.vector_load %arg9[%swap3A_371, %swap3A_372, %swap3A_373] {strides = array<i32>} : memref<2x128x128xf32, #tpu.memory_space<vmem>>, vector<16xf32>,
      tpu.vector_store %arg9[%swap3A_371, %swap3A_372, %swap3A_373], %broadcast_in_dim3A_369 {strides = array<i32>} : memref<2x128x128xf32, #tpu.memory_space<vmem>>, vector<16xf32>,
      %broadcast_in_dim3A_375 = arith.constant 0.000000e+00 : f32
      %broadcast_in_dim3A_376 = vector.broadcast %broadcast_in_dim3A_375 : f32 to vector<16xf32>
      %swap3A_377 = arith.constant 0 : i32
      %swap3A_378 = arith.index_cast %swap3A_377 : i32 to index
      %swap3A_379 = arith.index_cast %scan3A_327 : i32 to index
      %swap3A_380 = arith.constant 112 : index
      %swap3A_381 = tpu.vector_load %arg9[%swap3A_378, %swap3A_379, %swap3A_380] {strides = array<i32>} : memref<2x128x128xf32, #tpu.memory_space<vmem>>, vector<16xf32>,
      tpu.vector_store %arg9[%swap3A_378, %swap3A_379, %swap3A_380], %broadcast_in_dim3A_376 {strides = array<i32>} : memref<2x128x128xf32, #tpu.memory_space<vmem>>, vector<16xf32>,
    }
    %scan3A_13 = arith.constant 128 : i32
    %mul3A_14 = arith.constant 640 : i32
    %mul3A_15 = arith.muli %arg1, %mul3A_14 : i32
    %add3A_16 = arith.constant 0 : i32
    %add3A_17 = arith.addi %mul3A_15, %add3A_16 : i32
    %dma_start3A = arith.constant 0 : i32
    %dma_start3A_18 = arith.constant 0 : i32
    %dma_start3A_19 = arith.constant 0 : i32
    %dma_start3A_20 = tpu.memref_slice %arg9[%dma_start3A, %dma_start3A_18, %dma_start3A_19] : memref<2x128x128xf32, #tpu.memory_space<vmem>> -> memref<1x128x128xf32, #tpu.memory_space<vmem>>
    %dma_start3A_21 = tpu.memref_squeeze %dma_start3A_20 : memref<1x128x128xf32, #tpu.memory_space<vmem>> -> memref<128x128xf32, #tpu.memory_space<vmem>>
    %dma_start3A_22 = arith.constant 0 : i32
    %dma_start3A_23 = tpu.memref_slice %arg11[%add3A_17, %dma_start3A_22] : memref<10240x128xf32, #tpu.memory_space<vmem_shared>> -> memref<128x128xf32, #tpu.memory_space<vmem_shared>>
    %dma_start3A_24 = arith.constant 0 : i32
    %dma_start3A_25 = tpu.memref_slice %arg11[%add3A_17, %dma_start3A_24] : memref<10240x128xf32, #tpu.memory_space<vmem_shared>> -> memref<128x128xf32, #tpu.memory_space<vmem_shared>>
    %dma_start3A_26 = arith.constant 0 : i32
    %dma_start3A_27 = arith.constant 0 : i32
    %dma_start3A_28 = tpu.memref_slice %arg9[%dma_start3A, %dma_start3A_26, %dma_start3A_27] : memref<2x128x128xf32, #tpu.memory_space<vmem>> -> memref<1x128x128xf32, #tpu.memory_space<vmem>>
    %dma_start3A_29 = tpu.memref_squeeze %dma_start3A_28 : memref<1x128x128xf32, #tpu.memory_space<vmem>> -> memref<128x128xf32, #tpu.memory_space<vmem>>
    tpu.enqueue_dma source(%dma_start3A_29 : memref<128x128xf32, #tpu.memory_space<vmem>>) target(%dma_start3A_25 : memref<128x128xf32, #tpu.memory_space<vmem_shared>>) target_semaphore(%arg14 : memref<!tpu.dma_semaphore, #tpu.memory_space<semaphore_mem>>)
    %mul3A_30 = arith.constant 640 : i32
    %mul3A_31 = arith.muli %arg1, %mul3A_30 : i32
    %add3A_32 = arith.constant 128 : i32
    %add3A_33 = arith.addi %mul3A_31, %add3A_32 : i32
    %dma_start3A_34 = arith.constant 0 : i32
    %dma_start3A_35 = arith.constant 0 : i32
    %dma_start3A_36 = arith.constant 0 : i32
    %dma_start3A_37 = tpu.memref_slice %arg9[%dma_start3A_34, %dma_start3A_35, %dma_start3A_36] : memref<2x128x128xf32, #tpu.memory_space<vmem>> -> memref<1x128x128xf32, #tpu.memory_space<vmem>>
    %dma_start3A_38 = tpu.memref_squeeze %dma_start3A_37 : memref<1x128x128xf32, #tpu.memory_space<vmem>> -> memref<128x128xf32, #tpu.memory_space<vmem>>
    %dma_start3A_39 = arith.constant 0 : i32
    %dma_start3A_40 = tpu.memref_slice %arg11[%add3A_33, %dma_start3A_39] : memref<10240x128xf32, #tpu.memory_space<vmem_shared>> -> memref<128x128xf32, #tpu.memory_space<vmem_shared>>
    %dma_start3A_41 = arith.constant 0 : i32
    %dma_start3A_42 = tpu.memref_slice %arg11[%add3A_33, %dma_start3A_41] : memref<10240x128xf32, #tpu.memory_space<vmem_shared>> -> memref<128x128xf32, #tpu.memory_space<vmem_shared>>
    %dma_start3A_43 = arith.constant 0 : i32
    %dma_start3A_44 = arith.constant 0 : i32
    %dma_start3A_45 = tpu.memref_slice %arg9[%dma_start3A_34, %dma_start3A_43, %dma_start3A_44] : memref<2x128x128xf32, #tpu.memory_space<vmem>> -> memref<1x128x128xf32, #tpu.memory_space<vmem>>
    %dma_start3A_46 = tpu.memref_squeeze %dma_start3A_45 : memref<1x128x128xf32, #tpu.memory_space<vmem>> -> memref<128x128xf32, #tpu.memory_space<vmem>>
    tpu.enqueue_dma source(%dma_start3A_46 : memref<128x128xf32, #tpu.memory_space<vmem>>) target(%dma_start3A_42 : memref<128x128xf32, #tpu.memory_space<vmem_shared>>) target_semaphore(%arg14 : memref<!tpu.dma_semaphore, #tpu.memory_space<semaphore_mem>>)
    %mul3A_47 = arith.constant 640 : i32
    %mul3A_48 = arith.muli %arg1, %mul3A_47 : i32
    %add3A_49 = arith.constant 256 : i32
    %add3A_50 = arith.addi %mul3A_48, %add3A_49 : i32
    %dma_start3A_51 = arith.constant 0 : i32
    %dma_start3A_52 = arith.constant 0 : i32
    %dma_start3A_53 = arith.constant 0 : i32
    %dma_start3A_54 = tpu.memref_slice %arg9[%dma_start3A_51, %dma_start3A_52, %dma_start3A_53] : memref<2x128x128xf32, #tpu.memory_space<vmem>> -> memref<1x128x128xf32, #tpu.memory_space<vmem>>
    %dma_start3A_55 = tpu.memref_squeeze %dma_start3A_54 : memref<1x128x128xf32, #tpu.memory_space<vmem>> -> memref<128x128xf32, #tpu.memory_space<vmem>>
    %dma_start3A_56 = arith.constant 0 : i32
    %dma_start3A_57 = tpu.memref_slice %arg11[%add3A_50, %dma_start3A_56] : memref<10240x128xf32, #tpu.memory_space<vmem_shared>> -> memref<128x128xf32, #tpu.memory_space<vmem_shared>>
    %dma_start3A_58 = arith.constant 0 : i32
    %dma_start3A_59 = tpu.memref_slice %arg11[%add3A_50, %dma_start3A_58] : memref<10240x128xf32, #tpu.memory_space<vmem_shared>> -> memref<128x128xf32, #tpu.memory_space<vmem_shared>>
    %dma_start3A_60 = arith.constant 0 : i32
    %dma_start3A_61 = arith.constant 0 : i32
    %dma_start3A_62 = tpu.memref_slice %arg9[%dma_start3A_51, %dma_start3A_60, %dma_start3A_61] : memref<2x128x128xf32, #tpu.memory_space<vmem>> -> memref<1x128x128xf32, #tpu.memory_space<vmem>>
    %dma_start3A_63 = tpu.memref_squeeze %dma_start3A_62 : memref<1x128x128xf32, #tpu.memory_space<vmem>> -> memref<128x128xf32, #tpu.memory_space<vmem>>
    tpu.enqueue_dma source(%dma_start3A_63 : memref<128x128xf32, #tpu.memory_space<vmem>>) target(%dma_start3A_59 : memref<128x128xf32, #tpu.memory_space<vmem_shared>>) target_semaphore(%arg14 : memref<!tpu.dma_semaphore, #tpu.memory_space<semaphore_mem>>)
    %mul3A_64 = arith.constant 640 : i32
    %mul3A_65 = arith.muli %arg1, %mul3A_64 : i32
    %add3A_66 = arith.constant 384 : i32
    %add3A_67 = arith.addi %mul3A_65, %add3A_66 : i32
    %dma_start3A_68 = arith.constant 0 : i32
    %dma_start3A_69 = arith.constant 0 : i32
    %dma_start3A_70 = arith.constant 0 : i32
    %dma_start3A_71 = tpu.memref_slice %arg9[%dma_start3A_68, %dma_start3A_69, %dma_start3A_70] : memref<2x128x128xf32, #tpu.memory_space<vmem>> -> memref<1x128x128xf32, #tpu.memory_space<vmem>>
    %dma_start3A_72 = tpu.memref_squeeze %dma_start3A_71 : memref<1x128x128xf32, #tpu.memory_space<vmem>> -> memref<128x128xf32, #tpu.memory_space<vmem>>
    %dma_start3A_73 = arith.constant 0 : i32
    %dma_start3A_74 = tpu.memref_slice %arg11[%add3A_67, %dma_start3A_73] : memref<10240x128xf32, #tpu.memory_space<vmem_shared>> -> memref<128x128xf32, #tpu.memory_space<vmem_shared>>
    %dma_start3A_75 = arith.constant 0 : i32
    %dma_start3A_76 = tpu.memref_slice %arg11[%add3A_67, %dma_start3A_75] : memref<10240x128xf32, #tpu.memory_space<vmem_shared>> -> memref<128x128xf32, #tpu.memory_space<vmem_shared>>
    %dma_start3A_77 = arith.constant 0 : i32
    %dma_start3A_78 = arith.constant 0 : i32
    %dma_start3A_79 = tpu.memref_slice %arg9[%dma_start3A_68, %dma_start3A_77, %dma_start3A_78] : memref<2x128x128xf32, #tpu.memory_space<vmem>> -> memref<1x128x128xf32, #tpu.memory_space<vmem>>
    %dma_start3A_80 = tpu.memref_squeeze %dma_start3A_79 : memref<1x128x128xf32, #tpu.memory_space<vmem>> -> memref<128x128xf32, #tpu.memory_space<vmem>>
    tpu.enqueue_dma source(%dma_start3A_80 : memref<128x128xf32, #tpu.memory_space<vmem>>) target(%dma_start3A_76 : memref<128x128xf32, #tpu.memory_space<vmem_shared>>) target_semaphore(%arg14 : memref<!tpu.dma_semaphore, #tpu.memory_space<semaphore_mem>>)
    %mul3A_81 = arith.constant 640 : i32
    %mul3A_82 = arith.muli %arg1, %mul3A_81 : i32
    %add3A_83 = arith.constant 512 : i32
    %add3A_84 = arith.addi %mul3A_82, %add3A_83 : i32
    %dma_start3A_85 = arith.constant 0 : i32
    %dma_start3A_86 = arith.constant 0 : i32
    %dma_start3A_87 = arith.constant 0 : i32
    %dma_start3A_88 = tpu.memref_slice %arg9[%dma_start3A_85, %dma_start3A_86, %dma_start3A_87] : memref<2x128x128xf32, #tpu.memory_space<vmem>> -> memref<1x128x128xf32, #tpu.memory_space<vmem>>
    %dma_start3A_89 = tpu.memref_squeeze %dma_start3A_88 : memref<1x128x128xf32, #tpu.memory_space<vmem>> -> memref<128x128xf32, #tpu.memory_space<vmem>>
    %dma_start3A_90 = arith.constant 0 : i32
    %dma_start3A_91 = tpu.memref_slice %arg11[%add3A_84, %dma_start3A_90] : memref<10240x128xf32, #tpu.memory_space<vmem_shared>> -> memref<128x128xf32, #tpu.memory_space<vmem_shared>>
    %dma_start3A_92 = arith.constant 0 : i32
    %dma_start3A_93 = tpu.memref_slice %arg11[%add3A_84, %dma_start3A_92] : memref<10240x128xf32, #tpu.memory_space<vmem_shared>> -> memref<128x128xf32, #tpu.memory_space<vmem_shared>>
    %dma_start3A_94 = arith.constant 0 : i32
    %dma_start3A_95 = arith.constant 0 : i32
    %dma_start3A_96 = tpu.memref_slice %arg9[%dma_start3A_85, %dma_start3A_94, %dma_start3A_95] : memref<2x128x128xf32, #tpu.memory_space<vmem>> -> memref<1x128x128xf32, #tpu.memory_space<vmem>>
    %dma_start3A_97 = tpu.memref_squeeze %dma_start3A_96 : memref<1x128x128xf32, #tpu.memory_space<vmem>> -> memref<128x128xf32, #tpu.memory_space<vmem>>
    tpu.enqueue_dma source(%dma_start3A_97 : memref<128x128xf32, #tpu.memory_space<vmem>>) target(%dma_start3A_93 : memref<128x128xf32, #tpu.memory_space<vmem_shared>>) target_semaphore(%arg14 : memref<!tpu.dma_semaphore, #tpu.memory_space<semaphore_mem>>)
    %dma_start3A_98 = arith.constant 0 : i32
    %dma_start3A_99 = arith.constant 0 : i32
    %dma_start3A_100 = arith.constant 0 : i32
    %dma_start3A_101 = arith.constant 0 : i32
    %dma_start3A_102 = tpu.memref_slice %arg7[%dma_start3A_99, %dma_start3A_101] : memref<2x128xi32, #tpu.memory_space<vmem>> -> memref<1x128xi32, #tpu.memory_space<vmem>>
    %dma_start3A_103 = tpu.memref_squeeze %dma_start3A_102 : memref<1x128xi32, #tpu.memory_space<vmem>> -> memref<128xi32, #tpu.memory_space<vmem>>
    %dma_start3A_104 = arith.constant 0 : i32
    %dma_start3A_105 = tpu.memref_slice %arg3[%add3A, %dma_start3A_98, %dma_start3A_104] : memref<32x80x128xi32, #tpu.memory_space<hbm>> -> memref<1x1x128xi32, #tpu.memory_space<hbm>>
    %dma_start3A_106 = tpu.memref_squeeze %dma_start3A_105 : memref<1x1x128xi32, #tpu.memory_space<hbm>> -> memref<128xi32, #tpu.memory_space<hbm>>
    %dma_start3A_107 = tpu.memref_slice %arg12[%dma_start3A_100] : memref<2x!tpu.dma_semaphore, #tpu.memory_space<semaphore_mem>> -> memref<1x!tpu.dma_semaphore, #tpu.memory_space<semaphore_mem>>
    %dma_start3A_108 = tpu.memref_squeeze %dma_start3A_107 : memref<1x!tpu.dma_semaphore, #tpu.memory_space<semaphore_mem>> -> memref<!tpu.dma_semaphore, #tpu.memory_space<semaphore_mem>>
    %dma_start3A_109 = arith.constant 0 : i32
    %dma_start3A_110 = tpu.memref_slice %arg7[%dma_start3A_99, %dma_start3A_109] : memref<2x128xi32, #tpu.memory_space<vmem>> -> memref<1x128xi32, #tpu.memory_space<vmem>>
    %dma_start3A_111 = tpu.memref_squeeze %dma_start3A_110 : memref<1x128xi32, #tpu.memory_space<vmem>> -> memref<128xi32, #tpu.memory_space<vmem>>
    %dma_start3A_112 = arith.constant 0 : i32
    %dma_start3A_113 = tpu.memref_slice %arg3[%add3A, %dma_start3A_98, %dma_start3A_112] : memref<32x80x128xi32, #tpu.memory_space<hbm>> -> memref<1x1x128xi32, #tpu.memory_space<hbm>>
    %dma_start3A_114 = tpu.memref_squeeze %dma_start3A_113 : memref<1x1x128xi32, #tpu.memory_space<hbm>> -> memref<128xi32, #tpu.memory_space<hbm>>
    tpu.enqueue_dma source(%dma_start3A_114 : memref<128xi32, #tpu.memory_space<hbm>>) target(%dma_start3A_111 : memref<128xi32, #tpu.memory_space<vmem>>) target_semaphore(%dma_start3A_108 : memref<!tpu.dma_semaphore, #tpu.memory_space<semaphore_mem>>)
    %dma_start3A_115 = arith.constant 0 : i32
    %dma_start3A_116 = arith.constant 0 : i32
    %dma_start3A_117 = arith.constant 0 : i32
    %dma_start3A_118 = arith.constant 0 : i32
    %dma_start3A_119 = tpu.memref_slice %arg8[%dma_start3A_116, %dma_start3A_118] : memref<2x128xi32, #tpu.memory_space<vmem>> -> memref<1x128xi32, #tpu.memory_space<vmem>>
    %dma_start3A_120 = tpu.memref_squeeze %dma_start3A_119 : memref<1x128xi32, #tpu.memory_space<vmem>> -> memref<128xi32, #tpu.memory_space<vmem>>
    %dma_start3A_121 = arith.constant 0 : i32
    %dma_start3A_122 = tpu.memref_slice %arg4[%add3A, %dma_start3A_115, %dma_start3A_121] : memref<32x80x128xi32, #tpu.memory_space<hbm>> -> memref<1x1x128xi32, #tpu.memory_space<hbm>>
    %dma_start3A_123 = tpu.memref_squeeze %dma_start3A_122 : memref<1x1x128xi32, #tpu.memory_space<hbm>> -> memref<128xi32, #tpu.memory_space<hbm>>
    %dma_start3A_124 = tpu.memref_slice %arg12[%dma_start3A_117] : memref<2x!tpu.dma_semaphore, #tpu.memory_space<semaphore_mem>> -> memref<1x!tpu.dma_semaphore, #tpu.memory_space<semaphore_mem>>
    %dma_start3A_125 = tpu.memref_squeeze %dma_start3A_124 : memref<1x!tpu.dma_semaphore, #tpu.memory_space<semaphore_mem>> -> memref<!tpu.dma_semaphore, #tpu.memory_space<semaphore_mem>>
    %dma_start3A_126 = arith.constant 0 : i32
    %dma_start3A_127 = tpu.memref_slice %arg8[%dma_start3A_116, %dma_start3A_126] : memref<2x128xi32, #tpu.memory_space<vmem>> -> memref<1x128xi32, #tpu.memory_space<vmem>>
    %dma_start3A_128 = tpu.memref_squeeze %dma_start3A_127 : memref<1x128xi32, #tpu.memory_space<vmem>> -> memref<128xi32, #tpu.memory_space<vmem>>
    %dma_start3A_129 = arith.constant 0 : i32
    %dma_start3A_130 = tpu.memref_slice %arg4[%add3A, %dma_start3A_115, %dma_start3A_129] : memref<32x80x128xi32, #tpu.memory_space<hbm>> -> memref<1x1x128xi32, #tpu.memory_space<hbm>>
    %dma_start3A_131 = tpu.memref_squeeze %dma_start3A_130 : memref<1x1x128xi32, #tpu.memory_space<hbm>> -> memref<128xi32, #tpu.memory_space<hbm>>
    tpu.enqueue_dma source(%dma_start3A_131 : memref<128xi32, #tpu.memory_space<hbm>>) target(%dma_start3A_128 : memref<128xi32, #tpu.memory_space<vmem>>) target_semaphore(%dma_start3A_125 : memref<!tpu.dma_semaphore, #tpu.memory_space<semaphore_mem>>)
    %dma_start3A_132 = arith.constant 1 : i32
    %dma_start3A_133 = arith.constant 1 : i32
    %dma_start3A_134 = arith.constant 1 : i32
    %dma_start3A_135 = arith.constant 0 : i32
    %dma_start3A_136 = tpu.memref_slice %arg7[%dma_start3A_133, %dma_start3A_135] : memref<2x128xi32, #tpu.memory_space<vmem>> -> memref<1x128xi32, #tpu.memory_space<vmem>>
    %dma_start3A_137 = tpu.memref_squeeze %dma_start3A_136 : memref<1x128xi32, #tpu.memory_space<vmem>> -> memref<128xi32, #tpu.memory_space<vmem>>
    %dma_start3A_138 = arith.constant 0 : i32
    %dma_start3A_139 = tpu.memref_slice %arg3[%add3A, %dma_start3A_132, %dma_start3A_138] : memref<32x80x128xi32, #tpu.memory_space<hbm>> -> memref<1x1x128xi32, #tpu.memory_space<hbm>>
    %dma_start3A_140 = tpu.memref_squeeze %dma_start3A_139 : memref<1x1x128xi32, #tpu.memory_space<hbm>> -> memref<128xi32, #tpu.memory_space<hbm>>
    %dma_start3A_141 = tpu.memref_slice %arg12[%dma_start3A_134] : memref<2x!tpu.dma_semaphore, #tpu.memory_space<semaphore_mem>> -> memref<1x!tpu.dma_semaphore, #tpu.memory_space<semaphore_mem>>
    %dma_start3A_142 = tpu.memref_squeeze %dma_start3A_141 : memref<1x!tpu.dma_semaphore, #tpu.memory_space<semaphore_mem>> -> memref<!tpu.dma_semaphore, #tpu.memory_space<semaphore_mem>>
    %dma_start3A_143 = arith.constant 0 : i32
    %dma_start3A_144 = tpu.memref_slice %arg7[%dma_start3A_133, %dma_start3A_143] : memref<2x128xi32, #tpu.memory_space<vmem>> -> memref<1x128xi32, #tpu.memory_space<vmem>>
    %dma_start3A_145 = tpu.memref_squeeze %dma_start3A_144 : memref<1x128xi32, #tpu.memory_space<vmem>> -> memref<128xi32, #tpu.memory_space<vmem>>
    %dma_start3A_146 = arith.constant 0 : i32
    %dma_start3A_147 = tpu.memref_slice %arg3[%add3A, %dma_start3A_132, %dma_start3A_146] : memref<32x80x128xi32, #tpu.memory_space<hbm>> -> memref<1x1x128xi32, #tpu.memory_space<hbm>>
    %dma_start3A_148 = tpu.memref_squeeze %dma_start3A_147 : memref<1x1x128xi32, #tpu.memory_space<hbm>> -> memref<128xi32, #tpu.memory_space<hbm>>
    tpu.enqueue_dma source(%dma_start3A_148 : memref<128xi32, #tpu.memory_space<hbm>>) target(%dma_start3A_145 : memref<128xi32, #tpu.memory_space<vmem>>) target_semaphore(%dma_start3A_142 : memref<!tpu.dma_semaphore, #tpu.memory_space<semaphore_mem>>)
    %dma_start3A_149 = arith.constant 1 : i32
    %dma_start3A_150 = arith.constant 1 : i32
    %dma_start3A_151 = arith.constant 1 : i32
    %dma_start3A_152 = arith.constant 0 : i32
    %dma_start3A_153 = tpu.memref_slice %arg8[%dma_start3A_150, %dma_start3A_152] : memref<2x128xi32, #tpu.memory_space<vmem>> -> memref<1x128xi32, #tpu.memory_space<vmem>>
    %dma_start3A_154 = tpu.memref_squeeze %dma_start3A_153 : memref<1x128xi32, #tpu.memory_space<vmem>> -> memref<128xi32, #tpu.memory_space<vmem>>
    %dma_start3A_155 = arith.constant 0 : i32
    %dma_start3A_156 = tpu.memref_slice %arg4[%add3A, %dma_start3A_149, %dma_start3A_155] : memref<32x80x128xi32, #tpu.memory_space<hbm>> -> memref<1x1x128xi32, #tpu.memory_space<hbm>>
    %dma_start3A_157 = tpu.memref_squeeze %dma_start3A_156 : memref<1x1x128xi32, #tpu.memory_space<hbm>> -> memref<128xi32, #tpu.memory_space<hbm>>
    %dma_start3A_158 = tpu.memref_slice %arg12[%dma_start3A_151] : memref<2x!tpu.dma_semaphore, #tpu.memory_space<semaphore_mem>> -> memref<1x!tpu.dma_semaphore, #tpu.memory_space<semaphore_mem>>
    %dma_start3A_159 = tpu.memref_squeeze %dma_start3A_158 : memref<1x!tpu.dma_semaphore, #tpu.memory_space<semaphore_mem>> -> memref<!tpu.dma_semaphore, #tpu.memory_space<semaphore_mem>>
    %dma_start3A_160 = arith.constant 0 : i32
    %dma_start3A_161 = tpu.memref_slice %arg8[%dma_start3A_150, %dma_start3A_160] : memref<2x128xi32, #tpu.memory_space<vmem>> -> memref<1x128xi32, #tpu.memory_space<vmem>>
    %dma_start3A_162 = tpu.memref_squeeze %dma_start3A_161 : memref<1x128xi32, #tpu.memory_space<vmem>> -> memref<128xi32, #tpu.memory_space<vmem>>
    %dma_start3A_163 = arith.constant 0 : i32
    %dma_start3A_164 = tpu.memref_slice %arg4[%add3A, %dma_start3A_149, %dma_start3A_163] : memref<32x80x128xi32, #tpu.memory_space<hbm>> -> memref<1x1x128xi32, #tpu.memory_space<hbm>>
    %dma_start3A_165 = tpu.memref_squeeze %dma_start3A_164 : memref<1x1x128xi32, #tpu.memory_space<hbm>> -> memref<128xi32, #tpu.memory_space<hbm>>
    tpu.enqueue_dma source(%dma_start3A_165 : memref<128xi32, #tpu.memory_space<hbm>>) target(%dma_start3A_162 : memref<128xi32, #tpu.memory_space<vmem>>) target_semaphore(%dma_start3A_159 : memref<!tpu.dma_semaphore, #tpu.memory_space<semaphore_mem>>)
    %mul3A_166 = arith.constant 640 : i32
    %mul3A_167 = arith.muli %arg1, %mul3A_166 : i32
    %add3A_168 = arith.constant 0 : i32
    %add3A_169 = arith.addi %mul3A_167, %add3A_168 : i32
    %dma_wait3A = arith.constant 0 : i32
    %dma_wait3A_170 = arith.constant 0 : i32
    %dma_wait3A_171 = arith.constant 0 : i32
    %dma_wait3A_172 = tpu.memref_slice %arg9[%dma_wait3A, %dma_wait3A_170, %dma_wait3A_171] : memref<2x128x128xf32, #tpu.memory_space<vmem>> -> memref<1x128x128xf32, #tpu.memory_space<vmem>>
    %dma_wait3A_173 = tpu.memref_squeeze %dma_wait3A_172 : memref<1x128x128xf32, #tpu.memory_space<vmem>> -> memref<128x128xf32, #tpu.memory_space<vmem>>
    %dma_wait3A_174 = arith.constant 0 : i32
    %dma_wait3A_175 = tpu.memref_slice %arg11[%add3A_169, %dma_wait3A_174] : memref<10240x128xf32, #tpu.memory_space<vmem_shared>> -> memref<128x128xf32, #tpu.memory_space<vmem_shared>>
    %dma_wait3A_176 = arith.constant 0 : i32
    %dma_wait3A_177 = tpu.memref_slice %arg11[%add3A_169, %dma_wait3A_176] : memref<10240x128xf32, #tpu.memory_space<vmem_shared>> -> memref<128x128xf32, #tpu.memory_space<vmem_shared>>
    %dma_wait3A_178 = arith.constant 0 : i32
    %dma_wait3A_179 = arith.constant 0 : i32
    %dma_wait3A_180 = tpu.memref_slice %arg9[%dma_wait3A, %dma_wait3A_178, %dma_wait3A_179] : memref<2x128x128xf32, #tpu.memory_space<vmem>> -> memref<1x128x128xf32, #tpu.memory_space<vmem>>
    %dma_wait3A_181 = tpu.memref_squeeze %dma_wait3A_180 : memref<1x128x128xf32, #tpu.memory_space<vmem>> -> memref<128x128xf32, #tpu.memory_space<vmem>>
    tpu.wait_dma2 semaphore(%arg14 : memref<!tpu.dma_semaphore, #tpu.memory_space<semaphore_mem>>) src(%dma_wait3A_181 : memref<128x128xf32, #tpu.memory_space<vmem>>) dst(%dma_wait3A_177 : memref<128x128xf32, #tpu.memory_space<vmem_shared>>)
    %mul3A_182 = arith.constant 640 : i32
    %mul3A_183 = arith.muli %arg1, %mul3A_182 : i32
    %add3A_184 = arith.constant 128 : i32
    %add3A_185 = arith.addi %mul3A_183, %add3A_184 : i32
    %dma_wait3A_186 = arith.constant 0 : i32
    %dma_wait3A_187 = arith.constant 0 : i32
    %dma_wait3A_188 = arith.constant 0 : i32
    %dma_wait3A_189 = tpu.memref_slice %arg9[%dma_wait3A_186, %dma_wait3A_187, %dma_wait3A_188] : memref<2x128x128xf32, #tpu.memory_space<vmem>> -> memref<1x128x128xf32, #tpu.memory_space<vmem>>
    %dma_wait3A_190 = tpu.memref_squeeze %dma_wait3A_189 : memref<1x128x128xf32, #tpu.memory_space<vmem>> -> memref<128x128xf32, #tpu.memory_space<vmem>>
    %dma_wait3A_191 = arith.constant 0 : i32
    %dma_wait3A_192 = tpu.memref_slice %arg11[%add3A_185, %dma_wait3A_191] : memref<10240x128xf32, #tpu.memory_space<vmem_shared>> -> memref<128x128xf32, #tpu.memory_space<vmem_shared>>
    %dma_wait3A_193 = arith.constant 0 : i32
    %dma_wait3A_194 = tpu.memref_slice %arg11[%add3A_185, %dma_wait3A_193] : memref<10240x128xf32, #tpu.memory_space<vmem_shared>> -> memref<128x128xf32, #tpu.memory_space<vmem_shared>>
    %dma_wait3A_195 = arith.constant 0 : i32
    %dma_wait3A_196 = arith.constant 0 : i32
    %dma_wait3A_197 = tpu.memref_slice %arg9[%dma_wait3A_186, %dma_wait3A_195, %dma_wait3A_196] : memref<2x128x128xf32, #tpu.memory_space<vmem>> -> memref<1x128x128xf32, #tpu.memory_space<vmem>>
    %dma_wait3A_198 = tpu.memref_squeeze %dma_wait3A_197 : memref<1x128x128xf32, #tpu.memory_space<vmem>> -> memref<128x128xf32, #tpu.memory_space<vmem>>
    tpu.wait_dma2 semaphore(%arg14 : memref<!tpu.dma_semaphore, #tpu.memory_space<semaphore_mem>>) src(%dma_wait3A_198 : memref<128x128xf32, #tpu.memory_space<vmem>>) dst(%dma_wait3A_194 : memref<128x128xf32, #tpu.memory_space<vmem_shared>>)
    %mul3A_199 = arith.constant 640 : i32
    %mul3A_200 = arith.muli %arg1, %mul3A_199 : i32
    %add3A_201 = arith.constant 256 : i32
    %add3A_202 = arith.addi %mul3A_200, %add3A_201 : i32
    %dma_wait3A_203 = arith.constant 0 : i32
    %dma_wait3A_204 = arith.constant 0 : i32
    %dma_wait3A_205 = arith.constant 0 : i32
    %dma_wait3A_206 = tpu.memref_slice %arg9[%dma_wait3A_203, %dma_wait3A_204, %dma_wait3A_205] : memref<2x128x128xf32, #tpu.memory_space<vmem>> -> memref<1x128x128xf32, #tpu.memory_space<vmem>>
    %dma_wait3A_207 = tpu.memref_squeeze %dma_wait3A_206 : memref<1x128x128xf32, #tpu.memory_space<vmem>> -> memref<128x128xf32, #tpu.memory_space<vmem>>
    %dma_wait3A_208 = arith.constant 0 : i32
    %dma_wait3A_209 = tpu.memref_slice %arg11[%add3A_202, %dma_wait3A_208] : memref<10240x128xf32, #tpu.memory_space<vmem_shared>> -> memref<128x128xf32, #tpu.memory_space<vmem_shared>>
    %dma_wait3A_210 = arith.constant 0 : i32
    %dma_wait3A_211 = tpu.memref_slice %arg11[%add3A_202, %dma_wait3A_210] : memref<10240x128xf32, #tpu.memory_space<vmem_shared>> -> memref<128x128xf32, #tpu.memory_space<vmem_shared>>
    %dma_wait3A_212 = arith.constant 0 : i32
    %dma_wait3A_213 = arith.constant 0 : i32
    %dma_wait3A_214 = tpu.memref_slice %arg9[%dma_wait3A_203, %dma_wait3A_212, %dma_wait3A_213] : memref<2x128x128xf32, #tpu.memory_space<vmem>> -> memref<1x128x128xf32, #tpu.memory_space<vmem>>
    %dma_wait3A_215 = tpu.memref_squeeze %dma_wait3A_214 : memref<1x128x128xf32, #tpu.memory_space<vmem>> -> memref<128x128xf32, #tpu.memory_space<vmem>>
    tpu.wait_dma2 semaphore(%arg14 : memref<!tpu.dma_semaphore, #tpu.memory_space<semaphore_mem>>) src(%dma_wait3A_215 : memref<128x128xf32, #tpu.memory_space<vmem>>) dst(%dma_wait3A_211 : memref<128x128xf32, #tpu.memory_space<vmem_shared>>)
    %mul3A_216 = arith.constant 640 : i32
    %mul3A_217 = arith.muli %arg1, %mul3A_216 : i32
    %add3A_218 = arith.constant 384 : i32
    %add3A_219 = arith.addi %mul3A_217, %add3A_218 : i32
    %dma_wait3A_220 = arith.constant 0 : i32
    %dma_wait3A_221 = arith.constant 0 : i32
    %dma_wait3A_222 = arith.constant 0 : i32
    %dma_wait3A_223 = tpu.memref_slice %arg9[%dma_wait3A_220, %dma_wait3A_221, %dma_wait3A_222] : memref<2x128x128xf32, #tpu.memory_space<vmem>> -> memref<1x128x128xf32, #tpu.memory_space<vmem>>
    %dma_wait3A_224 = tpu.memref_squeeze %dma_wait3A_223 : memref<1x128x128xf32, #tpu.memory_space<vmem>> -> memref<128x128xf32, #tpu.memory_space<vmem>>
    %dma_wait3A_225 = arith.constant 0 : i32
    %dma_wait3A_226 = tpu.memref_slice %arg11[%add3A_219, %dma_wait3A_225] : memref<10240x128xf32, #tpu.memory_space<vmem_shared>> -> memref<128x128xf32, #tpu.memory_space<vmem_shared>>
    %dma_wait3A_227 = arith.constant 0 : i32
    %dma_wait3A_228 = tpu.memref_slice %arg11[%add3A_219, %dma_wait3A_227] : memref<10240x128xf32, #tpu.memory_space<vmem_shared>> -> memref<128x128xf32, #tpu.memory_space<vmem_shared>>
    %dma_wait3A_229 = arith.constant 0 : i32
    %dma_wait3A_230 = arith.constant 0 : i32
    %dma_wait3A_231 = tpu.memref_slice %arg9[%dma_wait3A_220, %dma_wait3A_229, %dma_wait3A_230] : memref<2x128x128xf32, #tpu.memory_space<vmem>> -> memref<1x128x128xf32, #tpu.memory_space<vmem>>
    %dma_wait3A_232 = tpu.memref_squeeze %dma_wait3A_231 : memref<1x128x128xf32, #tpu.memory_space<vmem>> -> memref<128x128xf32, #tpu.memory_space<vmem>>
    tpu.wait_dma2 semaphore(%arg14 : memref<!tpu.dma_semaphore, #tpu.memory_space<semaphore_mem>>) src(%dma_wait3A_232 : memref<128x128xf32, #tpu.memory_space<vmem>>) dst(%dma_wait3A_228 : memref<128x128xf32, #tpu.memory_space<vmem_shared>>)
    %mul3A_233 = arith.constant 640 : i32
    %mul3A_234 = arith.muli %arg1, %mul3A_233 : i32
    %add3A_235 = arith.constant 512 : i32
    %add3A_236 = arith.addi %mul3A_234, %add3A_235 : i32
    %dma_wait3A_237 = arith.constant 0 : i32
    %dma_wait3A_238 = arith.constant 0 : i32
    %dma_wait3A_239 = arith.constant 0 : i32
    %dma_wait3A_240 = tpu.memref_slice %arg9[%dma_wait3A_237, %dma_wait3A_238, %dma_wait3A_239] : memref<2x128x128xf32, #tpu.memory_space<vmem>> -> memref<1x128x128xf32, #tpu.memory_space<vmem>>
    %dma_wait3A_241 = tpu.memref_squeeze %dma_wait3A_240 : memref<1x128x128xf32, #tpu.memory_space<vmem>> -> memref<128x128xf32, #tpu.memory_space<vmem>>
    %dma_wait3A_242 = arith.constant 0 : i32
    %dma_wait3A_243 = tpu.memref_slice %arg11[%add3A_236, %dma_wait3A_242] : memref<10240x128xf32, #tpu.memory_space<vmem_shared>> -> memref<128x128xf32, #tpu.memory_space<vmem_shared>>
    %dma_wait3A_244 = arith.constant 0 : i32
    %dma_wait3A_245 = tpu.memref_slice %arg11[%add3A_236, %dma_wait3A_244] : memref<10240x128xf32, #tpu.memory_space<vmem_shared>> -> memref<128x128xf32, #tpu.memory_space<vmem_shared>>
    %dma_wait3A_246 = arith.constant 0 : i32
    %dma_wait3A_247 = arith.constant 0 : i32
    %dma_wait3A_248 = tpu.memref_slice %arg9[%dma_wait3A_237, %dma_wait3A_246, %dma_wait3A_247] : memref<2x128x128xf32, #tpu.memory_space<vmem>> -> memref<1x128x128xf32, #tpu.memory_space<vmem>>
    %dma_wait3A_249 = tpu.memref_squeeze %dma_wait3A_248 : memref<1x128x128xf32, #tpu.memory_space<vmem>> -> memref<128x128xf32, #tpu.memory_space<vmem>>
    tpu.wait_dma2 semaphore(%arg14 : memref<!tpu.dma_semaphore, #tpu.memory_space<semaphore_mem>>) src(%dma_wait3A_249 : memref<128x128xf32, #tpu.memory_space<vmem>>) dst(%dma_wait3A_245 : memref<128x128xf32, #tpu.memory_space<vmem_shared>>)
    %dma_wait3A_250 = arith.constant 0 : i32
    %dma_wait3A_251 = arith.constant 0 : i32
    %dma_wait3A_252 = arith.constant 0 : i32
    %dma_wait3A_253 = arith.constant 0 : i32
    %dma_wait3A_254 = tpu.memref_slice %arg7[%dma_wait3A_251, %dma_wait3A_253] : memref<2x128xi32, #tpu.memory_space<vmem>> -> memref<1x128xi32, #tpu.memory_space<vmem>>
    %dma_wait3A_255 = tpu.memref_squeeze %dma_wait3A_254 : memref<1x128xi32, #tpu.memory_space<vmem>> -> memref<128xi32, #tpu.memory_space<vmem>>
    %dma_wait3A_256 = arith.constant 0 : i32
    %dma_wait3A_257 = tpu.memref_slice %arg3[%add3A, %dma_wait3A_250, %dma_wait3A_256] : memref<32x80x128xi32, #tpu.memory_space<hbm>> -> memref<1x1x128xi32, #tpu.memory_space<hbm>>
    %dma_wait3A_258 = tpu.memref_squeeze %dma_wait3A_257 : memref<1x1x128xi32, #tpu.memory_space<hbm>> -> memref<128xi32, #tpu.memory_space<hbm>>
    %dma_wait3A_259 = tpu.memref_slice %arg12[%dma_wait3A_252] : memref<2x!tpu.dma_semaphore, #tpu.memory_space<semaphore_mem>> -> memref<1x!tpu.dma_semaphore, #tpu.memory_space<semaphore_mem>>
    %dma_wait3A_260 = tpu.memref_squeeze %dma_wait3A_259 : memref<1x!tpu.dma_semaphore, #tpu.memory_space<semaphore_mem>> -> memref<!tpu.dma_semaphore, #tpu.memory_space<semaphore_mem>>
    %dma_wait3A_261 = arith.constant 0 : i32
    %dma_wait3A_262 = tpu.memref_slice %arg7[%dma_wait3A_251, %dma_wait3A_261] : memref<2x128xi32, #tpu.memory_space<vmem>> -> memref<1x128xi32, #tpu.memory_space<vmem>>
    %dma_wait3A_263 = tpu.memref_squeeze %dma_wait3A_262 : memref<1x128xi32, #tpu.memory_space<vmem>> -> memref<128xi32, #tpu.memory_space<vmem>>
    %dma_wait3A_264 = arith.constant 0 : i32
    %dma_wait3A_265 = tpu.memref_slice %arg3[%add3A, %dma_wait3A_250, %dma_wait3A_264] : memref<32x80x128xi32, #tpu.memory_space<hbm>> -> memref<1x1x128xi32, #tpu.memory_space<hbm>>
    %dma_wait3A_266 = tpu.memref_squeeze %dma_wait3A_265 : memref<1x1x128xi32, #tpu.memory_space<hbm>> -> memref<128xi32, #tpu.memory_space<hbm>>
    tpu.wait_dma2 semaphore(%dma_wait3A_260 : memref<!tpu.dma_semaphore, #tpu.memory_space<semaphore_mem>>) src(%dma_wait3A_266 : memref<128xi32, #tpu.memory_space<hbm>>) dst(%dma_wait3A_263 : memref<128xi32, #tpu.memory_space<vmem>>)
    %dma_wait3A_267 = arith.constant 0 : i32
    %dma_wait3A_268 = arith.constant 0 : i32
    %dma_wait3A_269 = arith.constant 0 : i32
    %dma_wait3A_270 = arith.constant 0 : i32
    %dma_wait3A_271 = tpu.memref_slice %arg8[%dma_wait3A_268, %dma_wait3A_270] : memref<2x128xi32, #tpu.memory_space<vmem>> -> memref<1x128xi32, #tpu.memory_space<vmem>>
    %dma_wait3A_272 = tpu.memref_squeeze %dma_wait3A_271 : memref<1x128xi32, #tpu.memory_space<vmem>> -> memref<128xi32, #tpu.memory_space<vmem>>
    %dma_wait3A_273 = arith.constant 0 : i32
    %dma_wait3A_274 = tpu.memref_slice %arg4[%add3A, %dma_wait3A_267, %dma_wait3A_273] : memref<32x80x128xi32, #tpu.memory_space<hbm>> -> memref<1x1x128xi32, #tpu.memory_space<hbm>>
    %dma_wait3A_275 = tpu.memref_squeeze %dma_wait3A_274 : memref<1x1x128xi32, #tpu.memory_space<hbm>> -> memref<128xi32, #tpu.memory_space<hbm>>
    %dma_wait3A_276 = tpu.memref_slice %arg12[%dma_wait3A_269] : memref<2x!tpu.dma_semaphore, #tpu.memory_space<semaphore_mem>> -> memref<1x!tpu.dma_semaphore, #tpu.memory_space<semaphore_mem>>
    %dma_wait3A_277 = tpu.memref_squeeze %dma_wait3A_276 : memref<1x!tpu.dma_semaphore, #tpu.memory_space<semaphore_mem>> -> memref<!tpu.dma_semaphore, #tpu.memory_space<semaphore_mem>>
    %dma_wait3A_278 = arith.constant 0 : i32
    %dma_wait3A_279 = tpu.memref_slice %arg8[%dma_wait3A_268, %dma_wait3A_278] : memref<2x128xi32, #tpu.memory_space<vmem>> -> memref<1x128xi32, #tpu.memory_space<vmem>>
    %dma_wait3A_280 = tpu.memref_squeeze %dma_wait3A_279 : memref<1x128xi32, #tpu.memory_space<vmem>> -> memref<128xi32, #tpu.memory_space<vmem>>
    %dma_wait3A_281 = arith.constant 0 : i32
    %dma_wait3A_282 = tpu.memref_slice %arg4[%add3A, %dma_wait3A_267, %dma_wait3A_281] : memref<32x80x128xi32, #tpu.memory_space<hbm>> -> memref<1x1x128xi32, #tpu.memory_space<hbm>>
    %dma_wait3A_283 = tpu.memref_squeeze %dma_wait3A_282 : memref<1x1x128xi32, #tpu.memory_space<hbm>> -> memref<128xi32, #tpu.memory_space<hbm>>
    tpu.wait_dma2 semaphore(%dma_wait3A_277 : memref<!tpu.dma_semaphore, #tpu.memory_space<semaphore_mem>>) src(%dma_wait3A_283 : memref<128xi32, #tpu.memory_space<hbm>>) dst(%dma_wait3A_280 : memref<128xi32, #tpu.memory_space<vmem>>)
    %dma_start3A_284 = arith.constant 0 : i32
    %dma_start3A_285 = arith.constant 0 : i32
    %dma_start3A_286 = arith.constant 0 : i32
    %dma_start3A_287 = arith.constant 0 : i32
    %dma_start3A_288 = arith.constant 0 : i32
    %dma_start3A_289 = tpu.memref_slice %arg9[%dma_start3A_285, %dma_start3A_287, %dma_start3A_288] : memref<2x128x128xf32, #tpu.memory_space<vmem>> -> memref<1x128x128xf32, #tpu.memory_space<vmem>>
    %dma_start3A_290 = tpu.memref_squeeze %dma_start3A_289 : memref<1x128x128xf32, #tpu.memory_space<vmem>> -> memref<128x128xf32, #tpu.memory_space<vmem>>
    %dma_start3A_291 = arith.constant 0 : i32
    %dma_start3A_292 = tpu.memref_slice %arg7[%dma_start3A_284, %dma_start3A_291] : memref<2x128xi32, #tpu.memory_space<vmem>> -> memref<1x128xi32, #tpu.memory_space<vmem>>
    %dma_start3A_293 = tpu.memref_squeeze %dma_start3A_292 : memref<1x128xi32, #tpu.memory_space<vmem>> -> memref<128xi32, #tpu.memory_space<vmem>>
    %dma_start3A_294 = arith.constant 0 : i32
    %dma_start3A_295 = arith.constant 0 : i32
    %dma_start3A_296 = tpu.memref_slice %arg2[%dma_start3A_294, %dma_start3A_295] : memref<10240x128xf32, #tpu.memory_space<hbm>> -> memref<10240x128xf32, #tpu.memory_space<hbm>>
    %dma_start3A_297 = tpu.memref_slice %arg13[%dma_start3A_286] : memref<2x!tpu.dma_semaphore, #tpu.memory_space<semaphore_mem>> -> memref<1x!tpu.dma_semaphore, #tpu.memory_space<semaphore_mem>>
    %dma_start3A_298 = tpu.memref_squeeze %dma_start3A_297 : memref<1x!tpu.dma_semaphore, #tpu.memory_space<semaphore_mem>> -> memref<!tpu.dma_semaphore, #tpu.memory_space<semaphore_mem>>
    tpu.enqueue_indirect_dma source(%dma_start3A_296 : memref<10240x128xf32, #tpu.memory_space<hbm>>) target(%dma_start3A_290 : memref<128x128xf32, #tpu.memory_space<vmem>>) offsets(%dma_start3A_293 : memref<128xi32, #tpu.memory_space<vmem>>) semaphore(%dma_start3A_298 : memref<!tpu.dma_semaphore, #tpu.memory_space<semaphore_mem>>)
    %barrier3A = arith.constant 0 : index
    tpu.barrier barrier_id(%barrier3A)
    %jit3A = arith.constant 2 : i32
    %div3A = arith.divsi %reduce_max3A_8, %jit3A : i32
    %sign3A = arith.constant 0 : i32
    %sign3A_299 = arith.cmpi sgt, %reduce_max3A_8, %sign3A : i32
    %sign3A_300 = arith.extui %sign3A_299 : i1 to i32
    %sign3A_301 = arith.constant 0 : i32
    %sign3A_302 = arith.cmpi slt, %reduce_max3A_8, %sign3A_301 : i32
    %sign3A_303 = arith.extui %sign3A_302 : i1 to i32
    %sign3A_304 = arith.subi %sign3A_300, %sign3A_303 : i32
    %sign3A_305 = arith.constant 0 : i32
    %sign3A_306 = arith.cmpi sgt, %jit3A, %sign3A_305 : i32
    %sign3A_307 = arith.extui %sign3A_306 : i1 to i32
    %sign3A_308 = arith.constant 0 : i32
    %sign3A_309 = arith.cmpi slt, %jit3A, %sign3A_308 : i32
    %sign3A_310 = arith.extui %sign3A_309 : i1 to i32
    %sign3A_311 = arith.subi %sign3A_307, %sign3A_310 : i32
    %ne3A = arith.cmpi ne, %sign3A_304, %sign3A_311 : i32
    %rem3A = arith.remsi %reduce_max3A_8, %jit3A : i32
    %ne3A_312 = arith.constant 0 : i32
    %ne3A_313 = arith.cmpi ne, %rem3A, %ne3A_312 : i32
    %and3A = arith.andi %ne3A, %ne3A_313 : i1
    %sub3A = arith.constant 1 : i32
    %sub3A_314 = arith.subi %div3A, %sub3A : i32
    %select_n3A = arith.select %and3A, %sub3A_314, %div3A : i32
    %while3A = arith.constant 0 : i32
    %while3A_315 = arith.constant 0 : i32
    %while3A_316 = arith.subi %select_n3A, %while3A_315 : i32
    %while3A_317 = arith.addi %while3A_315, %while3A_316 : i32
    %while3A_318 = arith.constant 1 : i32
    %while3A_319 = arith.divsi %while3A_316, %while3A_318 : i32
    %while3A_320 = arith.muli %while3A_319, %while3A_318 : i32
    %while3A_321 = arith.addi %while3A_315, %while3A_320 : i32
    %while3A_322 = arith.constant 1 : i32
    scf.for %while3A_327 = %while3A_315 to %while3A_321 step %while3A_322  : i32 {
      %mul3A_328 = arith.constant 2 : i32
      %mul3A_329 = arith.muli %while3A_327, %mul3A_328 : i32
      %dma_wait3A_330 = arith.constant 0 : i32
      %dma_wait3A_331 = arith.constant 0 : i32
      %dma_wait3A_332 = arith.constant 0 : i32
      %dma_wait3A_333 = arith.constant 0 : i32
      %dma_wait3A_334 = arith.constant 0 : i32
      %dma_wait3A_335 = tpu.memref_slice %arg9[%dma_wait3A_331, %dma_wait3A_333, %dma_wait3A_334] : memref<2x128x128xf32, #tpu.memory_space<vmem>> -> memref<1x128x128xf32, #tpu.memory_space<vmem>>
      %dma_wait3A_336 = tpu.memref_squeeze %dma_wait3A_335 : memref<1x128x128xf32, #tpu.memory_space<vmem>> -> memref<128x128xf32, #tpu.memory_space<vmem>>
      %dma_wait3A_337 = arith.constant 0 : i32
      %dma_wait3A_338 = tpu.memref_slice %arg7[%dma_wait3A_330, %dma_wait3A_337] : memref<2x128xi32, #tpu.memory_space<vmem>> -> memref<1x128xi32, #tpu.memory_space<vmem>>
      %dma_wait3A_339 = tpu.memref_squeeze %dma_wait3A_338 : memref<1x128xi32, #tpu.memory_space<vmem>> -> memref<128xi32, #tpu.memory_space<vmem>>
      %dma_wait3A_340 = arith.constant 0 : i32
      %dma_wait3A_341 = arith.constant 0 : i32
      %dma_wait3A_342 = tpu.memref_slice %arg2[%dma_wait3A_340, %dma_wait3A_341] : memref<10240x128xf32, #tpu.memory_space<hbm>> -> memref<10240x128xf32, #tpu.memory_space<hbm>>
      %dma_wait3A_343 = tpu.memref_slice %arg13[%dma_wait3A_332] : memref<2x!tpu.dma_semaphore, #tpu.memory_space<semaphore_mem>> -> memref<1x!tpu.dma_semaphore, #tpu.memory_space<semaphore_mem>>
      %dma_wait3A_344 = tpu.memref_squeeze %dma_wait3A_343 : memref<1x!tpu.dma_semaphore, #tpu.memory_space<semaphore_mem>> -> memref<!tpu.dma_semaphore, #tpu.memory_space<semaphore_mem>>
      tpu.wait_indirect_dma semaphore(%dma_wait3A_344 : memref<!tpu.dma_semaphore, #tpu.memory_space<semaphore_mem>>) src(%dma_wait3A_342 : memref<10240x128xf32, #tpu.memory_space<hbm>>) dst(%dma_wait3A_336 : memref<128x128xf32, #tpu.memory_space<vmem>>)
      %run_scoped3A = arith.constant 0 : i32
      %run_scoped3A_345 = arith.constant 0 : i32
      "tpu.region"() ({
        %run_scoped3A_427 = tpu.sem_alloc : memref<!tpu.dma_semaphore, #tpu.memory_space<semaphore_mem>>
        %dma_start3A_428 = arith.constant 0 : i32
        %dma_start3A_429 = arith.constant 0 : i32
        %dma_start3A_430 = tpu.memref_slice %arg9[%run_scoped3A, %dma_start3A_428, %dma_start3A_429] : memref<2x128x128xf32, #tpu.memory_space<vmem>> -> memref<1x128x128xf32, #tpu.memory_space<vmem>>
        %dma_start3A_431 = tpu.memref_squeeze %dma_start3A_430 : memref<1x128x128xf32, #tpu.memory_space<vmem>> -> memref<128x128xf32, #tpu.memory_space<vmem>>
        %dma_start3A_432 = arith.constant 0 : i32
        %dma_start3A_433 = tpu.memref_slice %arg8[%run_scoped3A_345, %dma_start3A_432] : memref<2x128xi32, #tpu.memory_space<vmem>> -> memref<1x128xi32, #tpu.memory_space<vmem>>
        %dma_start3A_434 = tpu.memref_squeeze %dma_start3A_433 : memref<1x128xi32, #tpu.memory_space<vmem>> -> memref<128xi32, #tpu.memory_space<vmem>>
        %dma_start3A_435 = arith.constant 0 : i32
        %dma_start3A_436 = arith.constant 0 : i32
        %dma_start3A_437 = tpu.memref_slice %arg11[%dma_start3A_435, %dma_start3A_436] : memref<10240x128xf32, #tpu.memory_space<vmem_shared>> -> memref<10240x128xf32, #tpu.memory_space<vmem_shared>>
        tpu.enqueue_indirect_dma source(%dma_start3A_431 : memref<128x128xf32, #tpu.memory_space<vmem>>) target(%dma_start3A_437 : memref<10240x128xf32, #tpu.memory_space<vmem_shared>>) offsets(%dma_start3A_434 : memref<128xi32, #tpu.memory_space<vmem>>) semaphore(%run_scoped3A_427 : memref<!tpu.dma_semaphore, #tpu.memory_space<semaphore_mem>>) {add = true}
        %dma_wait3A_438 = arith.constant 0 : i32
        %dma_wait3A_439 = arith.constant 0 : i32
        %dma_wait3A_440 = tpu.memref_slice %arg9[%run_scoped3A, %dma_wait3A_438, %dma_wait3A_439] : memref<2x128x128xf32, #tpu.memory_space<vmem>> -> memref<1x128x128xf32, #tpu.memory_space<vmem>>
        %dma_wait3A_441 = tpu.memref_squeeze %dma_wait3A_440 : memref<1x128x128xf32, #tpu.memory_space<vmem>> -> memref<128x128xf32, #tpu.memory_space<vmem>>
        %dma_wait3A_442 = arith.constant 0 : i32
        %dma_wait3A_443 = tpu.memref_slice %arg8[%run_scoped3A_345, %dma_wait3A_442] : memref<2x128xi32, #tpu.memory_space<vmem>> -> memref<1x128xi32, #tpu.memory_space<vmem>>
        %dma_wait3A_444 = tpu.memref_squeeze %dma_wait3A_443 : memref<1x128xi32, #tpu.memory_space<vmem>> -> memref<128xi32, #tpu.memory_space<vmem>>
        %dma_wait3A_445 = arith.constant 0 : i32
        %dma_wait3A_446 = arith.constant 0 : i32
        %dma_wait3A_447 = tpu.memref_slice %arg11[%dma_wait3A_445, %dma_wait3A_446] : memref<10240x128xf32, #tpu.memory_space<vmem_shared>> -> memref<10240x128xf32, #tpu.memory_space<vmem_shared>>
        tpu.wait_indirect_dma semaphore(%run_scoped3A_427 : memref<!tpu.dma_semaphore, #tpu.memory_space<semaphore_mem>>) src(%dma_wait3A_441 : memref<128x128xf32, #tpu.memory_space<vmem>>) dst(%dma_wait3A_447 : memref<10240x128xf32, #tpu.memory_space<vmem_shared>>)
        tpu.yield
      }) : () -> ()
      %add3A_346 = arith.constant 2 : i32
      %add3A_347 = arith.addi %mul3A_329, %add3A_346 : i32
      %lt3A = arith.cmpi slt, %add3A_347, %reduce_max3A_8 : i32
      %convert_element_type3A = arith.extui %lt3A : i1 to i32
      %cond3A = arith.constant 0 : i32
      %cond3A_348 = arith.cmpi ne, %convert_element_type3A, %cond3A : i32
      scf.if %cond3A_348 {
        %add3A_427 = arith.constant 2 : i32
        %add3A_428 = arith.addi %mul3A_329, %add3A_427 : i32
        %dma_start3A_429 = arith.constant 0 : i32
        %dma_start3A_430 = arith.constant 0 : i32
        %dma_start3A_431 = arith.constant 0 : i32
        %dma_start3A_432 = tpu.memref_slice %arg7[%dma_start3A_429, %dma_start3A_431] : memref<2x128xi32, #tpu.memory_space<vmem>> -> memref<1x128xi32, #tpu.memory_space<vmem>>
        %dma_start3A_433 = tpu.memref_squeeze %dma_start3A_432 : memref<1x128xi32, #tpu.memory_space<vmem>> -> memref<128xi32, #tpu.memory_space<vmem>>
        %dma_start3A_434 = arith.constant 0 : i32
        %dma_start3A_435 = tpu.memref_slice %arg3[%add3A, %add3A_428, %dma_start3A_434] : memref<32x80x128xi32, #tpu.memory_space<hbm>> -> memref<1x1x128xi32, #tpu.memory_space<hbm>>
        %dma_start3A_436 = tpu.memref_squeeze %dma_start3A_435 : memref<1x1x128xi32, #tpu.memory_space<hbm>> -> memref<128xi32, #tpu.memory_space<hbm>>
        %dma_start3A_437 = tpu.memref_slice %arg12[%dma_start3A_430] : memref<2x!tpu.dma_semaphore, #tpu.memory_space<semaphore_mem>> -> memref<1x!tpu.dma_semaphore, #tpu.memory_space<semaphore_mem>>
        %dma_start3A_438 = tpu.memref_squeeze %dma_start3A_437 : memref<1x!tpu.dma_semaphore, #tpu.memory_space<semaphore_mem>> -> memref<!tpu.dma_semaphore, #tpu.memory_space<semaphore_mem>>
        %dma_start3A_439 = arith.constant 0 : i32
        %dma_start3A_440 = tpu.memref_slice %arg7[%dma_start3A_429, %dma_start3A_439] : memref<2x128xi32, #tpu.memory_space<vmem>> -> memref<1x128xi32, #tpu.memory_space<vmem>>
        %dma_start3A_441 = tpu.memref_squeeze %dma_start3A_440 : memref<1x128xi32, #tpu.memory_space<vmem>> -> memref<128xi32, #tpu.memory_space<vmem>>
        %dma_start3A_442 = arith.constant 0 : i32
        %dma_start3A_443 = tpu.memref_slice %arg3[%add3A, %add3A_428, %dma_start3A_442] : memref<32x80x128xi32, #tpu.memory_space<hbm>> -> memref<1x1x128xi32, #tpu.memory_space<hbm>>
        %dma_start3A_444 = tpu.memref_squeeze %dma_start3A_443 : memref<1x1x128xi32, #tpu.memory_space<hbm>> -> memref<128xi32, #tpu.memory_space<hbm>>
        tpu.enqueue_dma source(%dma_start3A_444 : memref<128xi32, #tpu.memory_space<hbm>>) target(%dma_start3A_441 : memref<128xi32, #tpu.memory_space<vmem>>) target_semaphore(%dma_start3A_438 : memref<!tpu.dma_semaphore, #tpu.memory_space<semaphore_mem>>)
        %dma_start3A_445 = arith.constant 0 : i32
        %dma_start3A_446 = arith.constant 0 : i32
        %dma_start3A_447 = arith.constant 0 : i32
        %dma_start3A_448 = tpu.memref_slice %arg8[%dma_start3A_445, %dma_start3A_447] : memref<2x128xi32, #tpu.memory_space<vmem>> -> memref<1x128xi32, #tpu.memory_space<vmem>>
        %dma_start3A_449 = tpu.memref_squeeze %dma_start3A_448 : memref<1x128xi32, #tpu.memory_space<vmem>> -> memref<128xi32, #tpu.memory_space<vmem>>
        %dma_start3A_450 = arith.constant 0 : i32
        %dma_start3A_451 = tpu.memref_slice %arg4[%add3A, %add3A_428, %dma_start3A_450] : memref<32x80x128xi32, #tpu.memory_space<hbm>> -> memref<1x1x128xi32, #tpu.memory_space<hbm>>
        %dma_start3A_452 = tpu.memref_squeeze %dma_start3A_451 : memref<1x1x128xi32, #tpu.memory_space<hbm>> -> memref<128xi32, #tpu.memory_space<hbm>>
        %dma_start3A_453 = tpu.memref_slice %arg12[%dma_start3A_446] : memref<2x!tpu.dma_semaphore, #tpu.memory_space<semaphore_mem>> -> memref<1x!tpu.dma_semaphore, #tpu.memory_space<semaphore_mem>>
        %dma_start3A_454 = tpu.memref_squeeze %dma_start3A_453 : memref<1x!tpu.dma_semaphore, #tpu.memory_space<semaphore_mem>> -> memref<!tpu.dma_semaphore, #tpu.memory_space<semaphore_mem>>
        %dma_start3A_455 = arith.constant 0 : i32
        %dma_start3A_456 = tpu.memref_slice %arg8[%dma_start3A_445, %dma_start3A_455] : memref<2x128xi32, #tpu.memory_space<vmem>> -> memref<1x128xi32, #tpu.memory_space<vmem>>
        %dma_start3A_457 = tpu.memref_squeeze %dma_start3A_456 : memref<1x128xi32, #tpu.memory_space<vmem>> -> memref<128xi32, #tpu.memory_space<vmem>>
        %dma_start3A_458 = arith.constant 0 : i32
        %dma_start3A_459 = tpu.memref_slice %arg4[%add3A, %add3A_428, %dma_start3A_458] : memref<32x80x128xi32, #tpu.memory_space<hbm>> -> memref<1x1x128xi32, #tpu.memory_space<hbm>>
        %dma_start3A_460 = tpu.memref_squeeze %dma_start3A_459 : memref<1x1x128xi32, #tpu.memory_space<hbm>> -> memref<128xi32, #tpu.memory_space<hbm>>
        tpu.enqueue_dma source(%dma_start3A_460 : memref<128xi32, #tpu.memory_space<hbm>>) target(%dma_start3A_457 : memref<128xi32, #tpu.memory_space<vmem>>) target_semaphore(%dma_start3A_454 : memref<!tpu.dma_semaphore, #tpu.memory_space<semaphore_mem>>)
      } else {
      }
      %add3A_349 = arith.constant 1 : i32
      %add3A_350 = arith.addi %mul3A_329, %add3A_349 : i32
      %dma_wait3A_351 = arith.constant 1 : i32
      %dma_wait3A_352 = arith.constant 1 : i32
      %dma_wait3A_353 = arith.constant 0 : i32
      %dma_wait3A_354 = tpu.memref_slice %arg7[%dma_wait3A_351, %dma_wait3A_353] : memref<2x128xi32, #tpu.memory_space<vmem>> -> memref<1x128xi32, #tpu.memory_space<vmem>>
      %dma_wait3A_355 = tpu.memref_squeeze %dma_wait3A_354 : memref<1x128xi32, #tpu.memory_space<vmem>> -> memref<128xi32, #tpu.memory_space<vmem>>
      %dma_wait3A_356 = arith.constant 0 : i32
      %dma_wait3A_357 = tpu.memref_slice %arg3[%add3A, %add3A_350, %dma_wait3A_356] : memref<32x80x128xi32, #tpu.memory_space<hbm>> -> memref<1x1x128xi32, #tpu.memory_space<hbm>>
      %dma_wait3A_358 = tpu.memref_squeeze %dma_wait3A_357 : memref<1x1x128xi32, #tpu.memory_space<hbm>> -> memref<128xi32, #tpu.memory_space<hbm>>
      %dma_wait3A_359 = tpu.memref_slice %arg12[%dma_wait3A_352] : memref<2x!tpu.dma_semaphore, #tpu.memory_space<semaphore_mem>> -> memref<1x!tpu.dma_semaphore, #tpu.memory_space<semaphore_mem>>
      %dma_wait3A_360 = tpu.memref_squeeze %dma_wait3A_359 : memref<1x!tpu.dma_semaphore, #tpu.memory_space<semaphore_mem>> -> memref<!tpu.dma_semaphore, #tpu.memory_space<semaphore_mem>>
      %dma_wait3A_361 = arith.constant 0 : i32
      %dma_wait3A_362 = tpu.memref_slice %arg7[%dma_wait3A_351, %dma_wait3A_361] : memref<2x128xi32, #tpu.memory_space<vmem>> -> memref<1x128xi32, #tpu.memory_space<vmem>>
      %dma_wait3A_363 = tpu.memref_squeeze %dma_wait3A_362 : memref<1x128xi32, #tpu.memory_space<vmem>> -> memref<128xi32, #tpu.memory_space<vmem>>
      %dma_wait3A_364 = arith.constant 0 : i32
      %dma_wait3A_365 = tpu.memref_slice %arg3[%add3A, %add3A_350, %dma_wait3A_364] : memref<32x80x128xi32, #tpu.memory_space<hbm>> -> memref<1x1x128xi32, #tpu.memory_space<hbm>>
      %dma_wait3A_366 = tpu.memref_squeeze %dma_wait3A_365 : memref<1x1x128xi32, #tpu.memory_space<hbm>> -> memref<128xi32, #tpu.memory_space<hbm>>
      tpu.wait_dma2 semaphore(%dma_wait3A_360 : memref<!tpu.dma_semaphore, #tpu.memory_space<semaphore_mem>>) src(%dma_wait3A_366 : memref<128xi32, #tpu.memory_space<hbm>>) dst(%dma_wait3A_363 : memref<128xi32, #tpu.memory_space<vmem>>)
      %dma_wait3A_367 = arith.constant 1 : i32
      %dma_wait3A_368 = arith.constant 1 : i32
      %dma_wait3A_369 = arith.constant 0 : i32
      %dma_wait3A_370 = tpu.memref_slice %arg8[%dma_wait3A_367, %dma_wait3A_369] : memref<2x128xi32, #tpu.memory_space<vmem>> -> memref<1x128xi32, #tpu.memory_space<vmem>>
      %dma_wait3A_371 = tpu.memref_squeeze %dma_wait3A_370 : memref<1x128xi32, #tpu.memory_space<vmem>> -> memref<128xi32, #tpu.memory_space<vmem>>
      %dma_wait3A_372 = arith.constant 0 : i32
      %dma_wait3A_373 = tpu.memref_slice %arg4[%add3A, %add3A_350, %dma_wait3A_372] : memref<32x80x128xi32, #tpu.memory_space<hbm>> -> memref<1x1x128xi32, #tpu.memory_space<hbm>>
      %dma_wait3A_374 = tpu.memref_squeeze %dma_wait3A_373 : memref<1x1x128xi32, #tpu.memory_space<hbm>> -> memref<128xi32, #tpu.memory_space<hbm>>
      %dma_wait3A_375 = tpu.memref_slice %arg12[%dma_wait3A_368] : memref<2x!tpu.dma_semaphore, #tpu.memory_space<semaphore_mem>> -> memref<1x!tpu.dma_semaphore, #tpu.memory_space<semaphore_mem>>
      %dma_wait3A_376 = tpu.memref_squeeze %dma_wait3A_375 : memref<1x!tpu.dma_semaphore, #tpu.memory_space<semaphore_mem>> -> memref<!tpu.dma_semaphore, #tpu.memory_space<semaphore_mem>>
      %dma_wait3A_377 = arith.constant 0 : i32
      %dma_wait3A_378 = tpu.memref_slice %arg8[%dma_wait3A_367, %dma_wait3A_377] : memref<2x128xi32, #tpu.memory_space<vmem>> -> memref<1x128xi32, #tpu.memory_space<vmem>>
      %dma_wait3A_379 = tpu.memref_squeeze %dma_wait3A_378 : memref<1x128xi32, #tpu.memory_space<vmem>> -> memref<128xi32, #tpu.memory_space<vmem>>
      %dma_wait3A_380 = arith.constant 0 : i32
      %dma_wait3A_381 = tpu.memref_slice %arg4[%add3A, %add3A_350, %dma_wait3A_380] : memref<32x80x128xi32, #tpu.memory_space<hbm>> -> memref<1x1x128xi32, #tpu.memory_space<hbm>>
      %dma_wait3A_382 = tpu.memref_squeeze %dma_wait3A_381 : memref<1x1x128xi32, #tpu.memory_space<hbm>> -> memref<128xi32, #tpu.memory_space<hbm>>
      tpu.wait_dma2 semaphore(%dma_wait3A_376 : memref<!tpu.dma_semaphore, #tpu.memory_space<semaphore_mem>>) src(%dma_wait3A_382 : memref<128xi32, #tpu.memory_space<hbm>>) dst(%dma_wait3A_379 : memref<128xi32, #tpu.memory_space<vmem>>)
      %dma_start3A_383 = arith.constant 1 : i32
      %dma_start3A_384 = arith.constant 1 : i32
      %dma_start3A_385 = arith.constant 1 : i32
      %dma_start3A_386 = arith.constant 0 : i32
      %dma_start3A_387 = arith.constant 0 : i32
      %dma_start3A_388 = tpu.memref_slice %arg9[%dma_start3A_384, %dma_start3A_386, %dma_start3A_387] : memref<2x128x128xf32, #tpu.memory_space<vmem>> -> memref<1x128x128xf32, #tpu.memory_space<vmem>>
      %dma_start3A_389 = tpu.memref_squeeze %dma_start3A_388 : memref<1x128x128xf32, #tpu.memory_space<vmem>> -> memref<128x128xf32, #tpu.memory_space<vmem>>
      %dma_start3A_390 = arith.constant 0 : i32
      %dma_start3A_391 = tpu.memref_slice %arg7[%dma_start3A_383, %dma_start3A_390] : memref<2x128xi32, #tpu.memory_space<vmem>> -> memref<1x128xi32, #tpu.memory_space<vmem>>
      %dma_start3A_392 = tpu.memref_squeeze %dma_start3A_391 : memref<1x128xi32, #tpu.memory_space<vmem>> -> memref<128xi32, #tpu.memory_space<vmem>>
      %dma_start3A_393 = arith.constant 0 : i32
      %dma_start3A_394 = arith.constant 0 : i32
      %dma_start3A_395 = tpu.memref_slice %arg2[%dma_start3A_393, %dma_start3A_394] : memref<10240x128xf32, #tpu.memory_space<hbm>> -> memref<10240x128xf32, #tpu.memory_space<hbm>>
      %dma_start3A_396 = tpu.memref_slice %arg13[%dma_start3A_385] : memref<2x!tpu.dma_semaphore, #tpu.memory_space<semaphore_mem>> -> memref<1x!tpu.dma_semaphore, #tpu.memory_space<semaphore_mem>>
      %dma_start3A_397 = tpu.memref_squeeze %dma_start3A_396 : memref<1x!tpu.dma_semaphore, #tpu.memory_space<semaphore_mem>> -> memref<!tpu.dma_semaphore, #tpu.memory_space<semaphore_mem>>
      tpu.enqueue_indirect_dma source(%dma_start3A_395 : memref<10240x128xf32, #tpu.memory_space<hbm>>) target(%dma_start3A_389 : memref<128x128xf32, #tpu.memory_space<vmem>>) offsets(%dma_start3A_392 : memref<128xi32, #tpu.memory_space<vmem>>) semaphore(%dma_start3A_397 : memref<!tpu.dma_semaphore, #tpu.memory_space<semaphore_mem>>)
      %dma_wait3A_398 = arith.constant 1 : i32
      %dma_wait3A_399 = arith.constant 1 : i32
      %dma_wait3A_400 = arith.constant 1 : i32
      %dma_wait3A_401 = arith.constant 0 : i32
      %dma_wait3A_402 = arith.constant 0 : i32
      %dma_wait3A_403 = tpu.memref_slice %arg9[%dma_wait3A_399, %dma_wait3A_401, %dma_wait3A_402] : memref<2x128x128xf32, #tpu.memory_space<vmem>> -> memref<1x128x128xf32, #tpu.memory_space<vmem>>
      %dma_wait3A_404 = tpu.memref_squeeze %dma_wait3A_403 : memref<1x128x128xf32, #tpu.memory_space<vmem>> -> memref<128x128xf32, #tpu.memory_space<vmem>>
      %dma_wait3A_405 = arith.constant 0 : i32
      %dma_wait3A_406 = tpu.memref_slice %arg7[%dma_wait3A_398, %dma_wait3A_405] : memref<2x128xi32, #tpu.memory_space<vmem>> -> memref<1x128xi32, #tpu.memory_space<vmem>>
      %dma_wait3A_407 = tpu.memref_squeeze %dma_wait3A_406 : memref<1x128xi32, #tpu.memory_space<vmem>> -> memref<128xi32, #tpu.memory_space<vmem>>
      %dma_wait3A_408 = arith.constant 0 : i32
      %dma_wait3A_409 = arith.constant 0 : i32
      %dma_wait3A_410 = tpu.memref_slice %arg2[%dma_wait3A_408, %dma_wait3A_409] : memref<10240x128xf32, #tpu.memory_space<hbm>> -> memref<10240x128xf32, #tpu.memory_space<hbm>>
      %dma_wait3A_411 = tpu.memref_slice %arg13[%dma_wait3A_400] : memref<2x!tpu.dma_semaphore, #tpu.memory_space<semaphore_mem>> -> memref<1x!tpu.dma_semaphore, #tpu.memory_space<semaphore_mem>>
      %dma_wait3A_412 = tpu.memref_squeeze %dma_wait3A_411 : memref<1x!tpu.dma_semaphore, #tpu.memory_space<semaphore_mem>> -> memref<!tpu.dma_semaphore, #tpu.memory_space<semaphore_mem>>
      tpu.wait_indirect_dma semaphore(%dma_wait3A_412 : memref<!tpu.dma_semaphore, #tpu.memory_space<semaphore_mem>>) src(%dma_wait3A_410 : memref<10240x128xf32, #tpu.memory_space<hbm>>) dst(%dma_wait3A_404 : memref<128x128xf32, #tpu.memory_space<vmem>>)
      %run_scoped3A_413 = arith.constant 1 : i32
      %run_scoped3A_414 = arith.constant 1 : i32
      "tpu.region"() ({
        %run_scoped3A_427 = tpu.sem_alloc : memref<!tpu.dma_semaphore, #tpu.memory_space<semaphore_mem>>
        %dma_start3A_428 = arith.constant 0 : i32
        %dma_start3A_429 = arith.constant 0 : i32
        %dma_start3A_430 = tpu.memref_slice %arg9[%run_scoped3A_413, %dma_start3A_428, %dma_start3A_429] : memref<2x128x128xf32, #tpu.memory_space<vmem>> -> memref<1x128x128xf32, #tpu.memory_space<vmem>>
        %dma_start3A_431 = tpu.memref_squeeze %dma_start3A_430 : memref<1x128x128xf32, #tpu.memory_space<vmem>> -> memref<128x128xf32, #tpu.memory_space<vmem>>
        %dma_start3A_432 = arith.constant 0 : i32
        %dma_start3A_433 = tpu.memref_slice %arg8[%run_scoped3A_414, %dma_start3A_432] : memref<2x128xi32, #tpu.memory_space<vmem>> -> memref<1x128xi32, #tpu.memory_space<vmem>>
        %dma_start3A_434 = tpu.memref_squeeze %dma_start3A_433 : memref<1x128xi32, #tpu.memory_space<vmem>> -> memref<128xi32, #tpu.memory_space<vmem>>
        %dma_start3A_435 = arith.constant 0 : i32
        %dma_start3A_436 = arith.constant 0 : i32
        %dma_start3A_437 = tpu.memref_slice %arg11[%dma_start3A_435, %dma_start3A_436] : memref<10240x128xf32, #tpu.memory_space<vmem_shared>> -> memref<10240x128xf32, #tpu.memory_space<vmem_shared>>
        tpu.enqueue_indirect_dma source(%dma_start3A_431 : memref<128x128xf32, #tpu.memory_space<vmem>>) target(%dma_start3A_437 : memref<10240x128xf32, #tpu.memory_space<vmem_shared>>) offsets(%dma_start3A_434 : memref<128xi32, #tpu.memory_space<vmem>>) semaphore(%run_scoped3A_427 : memref<!tpu.dma_semaphore, #tpu.memory_space<semaphore_mem>>) {add = true}
        %dma_wait3A_438 = arith.constant 0 : i32
        %dma_wait3A_439 = arith.constant 0 : i32
        %dma_wait3A_440 = tpu.memref_slice %arg9[%run_scoped3A_413, %dma_wait3A_438, %dma_wait3A_439] : memref<2x128x128xf32, #tpu.memory_space<vmem>> -> memref<1x128x128xf32, #tpu.memory_space<vmem>>
        %dma_wait3A_441 = tpu.memref_squeeze %dma_wait3A_440 : memref<1x128x128xf32, #tpu.memory_space<vmem>> -> memref<128x128xf32, #tpu.memory_space<vmem>>
        %dma_wait3A_442 = arith.constant 0 : i32
        %dma_wait3A_443 = tpu.memref_slice %arg8[%run_scoped3A_414, %dma_wait3A_442] : memref<2x128xi32, #tpu.memory_space<vmem>> -> memref<1x128xi32, #tpu.memory_space<vmem>>
        %dma_wait3A_444 = tpu.memref_squeeze %dma_wait3A_443 : memref<1x128xi32, #tpu.memory_space<vmem>> -> memref<128xi32, #tpu.memory_space<vmem>>
        %dma_wait3A_445 = arith.constant 0 : i32
        %dma_wait3A_446 = arith.constant 0 : i32
        %dma_wait3A_447 = tpu.memref_slice %arg11[%dma_wait3A_445, %dma_wait3A_446] : memref<10240x128xf32, #tpu.memory_space<vmem_shared>> -> memref<10240x128xf32, #tpu.memory_space<vmem_shared>>
        tpu.wait_indirect_dma semaphore(%run_scoped3A_427 : memref<!tpu.dma_semaphore, #tpu.memory_space<semaphore_mem>>) src(%dma_wait3A_441 : memref<128x128xf32, #tpu.memory_space<vmem>>) dst(%dma_wait3A_447 : memref<10240x128xf32, #tpu.memory_space<vmem_shared>>)
        tpu.yield
      }) : () -> ()
      %add3A_415 = arith.constant 3 : i32
      %add3A_416 = arith.addi %mul3A_329, %add3A_415 : i32
      %lt3A_417 = arith.cmpi slt, %add3A_416, %reduce_max3A_8 : i32
      %convert_element_type3A_418 = arith.extui %lt3A_417 : i1 to i32
      %cond3A_419 = arith.constant 0 : i32
      %cond3A_420 = arith.cmpi ne, %convert_element_type3A_418, %cond3A_419 : i32
      scf.if %cond3A_420 {
        %add3A_427 = arith.constant 3 : i32
        %add3A_428 = arith.addi %mul3A_329, %add3A_427 : i32
        %dma_start3A_429 = arith.constant 1 : i32
        %dma_start3A_430 = arith.constant 1 : i32
        %dma_start3A_431 = arith.constant 0 : i32
        %dma_start3A_432 = tpu.memref_slice %arg7[%dma_start3A_429, %dma_start3A_431] : memref<2x128xi32, #tpu.memory_space<vmem>> -> memref<1x128xi32, #tpu.memory_space<vmem>>
        %dma_start3A_433 = tpu.memref_squeeze %dma_start3A_432 : memref<1x128xi32, #tpu.memory_space<vmem>> -> memref<128xi32, #tpu.memory_space<vmem>>
        %dma_start3A_434 = arith.constant 0 : i32
        %dma_start3A_435 = tpu.memref_slice %arg3[%add3A, %add3A_428, %dma_start3A_434] : memref<32x80x128xi32, #tpu.memory_space<hbm>> -> memref<1x1x128xi32, #tpu.memory_space<hbm>>
        %dma_start3A_436 = tpu.memref_squeeze %dma_start3A_435 : memref<1x1x128xi32, #tpu.memory_space<hbm>> -> memref<128xi32, #tpu.memory_space<hbm>>
        %dma_start3A_437 = tpu.memref_slice %arg12[%dma_start3A_430] : memref<2x!tpu.dma_semaphore, #tpu.memory_space<semaphore_mem>> -> memref<1x!tpu.dma_semaphore, #tpu.memory_space<semaphore_mem>>
        %dma_start3A_438 = tpu.memref_squeeze %dma_start3A_437 : memref<1x!tpu.dma_semaphore, #tpu.memory_space<semaphore_mem>> -> memref<!tpu.dma_semaphore, #tpu.memory_space<semaphore_mem>>
        %dma_start3A_439 = arith.constant 0 : i32
        %dma_start3A_440 = tpu.memref_slice %arg7[%dma_start3A_429, %dma_start3A_439] : memref<2x128xi32, #tpu.memory_space<vmem>> -> memref<1x128xi32, #tpu.memory_space<vmem>>
        %dma_start3A_441 = tpu.memref_squeeze %dma_start3A_440 : memref<1x128xi32, #tpu.memory_space<vmem>> -> memref<128xi32, #tpu.memory_space<vmem>>
        %dma_start3A_442 = arith.constant 0 : i32
        %dma_start3A_443 = tpu.memref_slice %arg3[%add3A, %add3A_428, %dma_start3A_442] : memref<32x80x128xi32, #tpu.memory_space<hbm>> -> memref<1x1x128xi32, #tpu.memory_space<hbm>>
        %dma_start3A_444 = tpu.memref_squeeze %dma_start3A_443 : memref<1x1x128xi32, #tpu.memory_space<hbm>> -> memref<128xi32, #tpu.memory_space<hbm>>
        tpu.enqueue_dma source(%dma_start3A_444 : memref<128xi32, #tpu.memory_space<hbm>>) target(%dma_start3A_441 : memref<128xi32, #tpu.memory_space<vmem>>) target_semaphore(%dma_start3A_438 : memref<!tpu.dma_semaphore, #tpu.memory_space<semaphore_mem>>)
        %dma_start3A_445 = arith.constant 1 : i32
        %dma_start3A_446 = arith.constant 1 : i32
        %dma_start3A_447 = arith.constant 0 : i32
        %dma_start3A_448 = tpu.memref_slice %arg8[%dma_start3A_445, %dma_start3A_447] : memref<2x128xi32, #tpu.memory_space<vmem>> -> memref<1x128xi32, #tpu.memory_space<vmem>>
        %dma_start3A_449 = tpu.memref_squeeze %dma_start3A_448 : memref<1x128xi32, #tpu.memory_space<vmem>> -> memref<128xi32, #tpu.memory_space<vmem>>
        %dma_start3A_450 = arith.constant 0 : i32
        %dma_start3A_451 = tpu.memref_slice %arg4[%add3A, %add3A_428, %dma_start3A_450] : memref<32x80x128xi32, #tpu.memory_space<hbm>> -> memref<1x1x128xi32, #tpu.memory_space<hbm>>
        %dma_start3A_452 = tpu.memref_squeeze %dma_start3A_451 : memref<1x1x128xi32, #tpu.memory_space<hbm>> -> memref<128xi32, #tpu.memory_space<hbm>>
        %dma_start3A_453 = tpu.memref_slice %arg12[%dma_start3A_446] : memref<2x!tpu.dma_semaphore, #tpu.memory_space<semaphore_mem>> -> memref<1x!tpu.dma_semaphore, #tpu.memory_space<semaphore_mem>>
        %dma_start3A_454 = tpu.memref_squeeze %dma_start3A_453 : memref<1x!tpu.dma_semaphore, #tpu.memory_space<semaphore_mem>> -> memref<!tpu.dma_semaphore, #tpu.memory_space<semaphore_mem>>
        %dma_start3A_455 = arith.constant 0 : i32
        %dma_start3A_456 = tpu.memref_slice %arg8[%dma_start3A_445, %dma_start3A_455] : memref<2x128xi32, #tpu.memory_space<vmem>> -> memref<1x128xi32, #tpu.memory_space<vmem>>
        %dma_start3A_457 = tpu.memref_squeeze %dma_start3A_456 : memref<1x128xi32, #tpu.memory_space<vmem>> -> memref<128xi32, #tpu.memory_space<vmem>>
        %dma_start3A_458 = arith.constant 0 : i32
        %dma_start3A_459 = tpu.memref_slice %arg4[%add3A, %add3A_428, %dma_start3A_458] : memref<32x80x128xi32, #tpu.memory_space<hbm>> -> memref<1x1x128xi32, #tpu.memory_space<hbm>>
        %dma_start3A_460 = tpu.memref_squeeze %dma_start3A_459 : memref<1x1x128xi32, #tpu.memory_space<hbm>> -> memref<128xi32, #tpu.memory_space<hbm>>
        tpu.enqueue_dma source(%dma_start3A_460 : memref<128xi32, #tpu.memory_space<hbm>>) target(%dma_start3A_457 : memref<128xi32, #tpu.memory_space<vmem>>) target_semaphore(%dma_start3A_454 : memref<!tpu.dma_semaphore, #tpu.memory_space<semaphore_mem>>)
      } else {
      }
      %add3A_421 = arith.constant 2 : i32
      %add3A_422 = arith.addi %mul3A_329, %add3A_421 : i32
      %lt3A_423 = arith.cmpi slt, %add3A_422, %reduce_max3A_8 : i32
      %convert_element_type3A_424 = arith.extui %lt3A_423 : i1 to i32
      %cond3A_425 = arith.constant 0 : i32
      %cond3A_426 = arith.cmpi ne, %convert_element_type3A_424, %cond3A_425 : i32
      scf.if %cond3A_426 {
        %add3A_427 = arith.constant 2 : i32
        %add3A_428 = arith.addi %mul3A_329, %add3A_427 : i32
        %dma_wait3A_429 = arith.constant 0 : i32
        %dma_wait3A_430 = arith.constant 0 : i32
        %dma_wait3A_431 = arith.constant 0 : i32
        %dma_wait3A_432 = tpu.memref_slice %arg7[%dma_wait3A_429, %dma_wait3A_431] : memref<2x128xi32, #tpu.memory_space<vmem>> -> memref<1x128xi32, #tpu.memory_space<vmem>>
        %dma_wait3A_433 = tpu.memref_squeeze %dma_wait3A_432 : memref<1x128xi32, #tpu.memory_space<vmem>> -> memref<128xi32, #tpu.memory_space<vmem>>
        %dma_wait3A_434 = arith.constant 0 : i32
        %dma_wait3A_435 = tpu.memref_slice %arg3[%add3A, %add3A_428, %dma_wait3A_434] : memref<32x80x128xi32, #tpu.memory_space<hbm>> -> memref<1x1x128xi32, #tpu.memory_space<hbm>>
        %dma_wait3A_436 = tpu.memref_squeeze %dma_wait3A_435 : memref<1x1x128xi32, #tpu.memory_space<hbm>> -> memref<128xi32, #tpu.memory_space<hbm>>
        %dma_wait3A_437 = tpu.memref_slice %arg12[%dma_wait3A_430] : memref<2x!tpu.dma_semaphore, #tpu.memory_space<semaphore_mem>> -> memref<1x!tpu.dma_semaphore, #tpu.memory_space<semaphore_mem>>
        %dma_wait3A_438 = tpu.memref_squeeze %dma_wait3A_437 : memref<1x!tpu.dma_semaphore, #tpu.memory_space<semaphore_mem>> -> memref<!tpu.dma_semaphore, #tpu.memory_space<semaphore_mem>>
        %dma_wait3A_439 = arith.constant 0 : i32
        %dma_wait3A_440 = tpu.memref_slice %arg7[%dma_wait3A_429, %dma_wait3A_439] : memref<2x128xi32, #tpu.memory_space<vmem>> -> memref<1x128xi32, #tpu.memory_space<vmem>>
        %dma_wait3A_441 = tpu.memref_squeeze %dma_wait3A_440 : memref<1x128xi32, #tpu.memory_space<vmem>> -> memref<128xi32, #tpu.memory_space<vmem>>
        %dma_wait3A_442 = arith.constant 0 : i32
        %dma_wait3A_443 = tpu.memref_slice %arg3[%add3A, %add3A_428, %dma_wait3A_442] : memref<32x80x128xi32, #tpu.memory_space<hbm>> -> memref<1x1x128xi32, #tpu.memory_space<hbm>>
        %dma_wait3A_444 = tpu.memref_squeeze %dma_wait3A_443 : memref<1x1x128xi32, #tpu.memory_space<hbm>> -> memref<128xi32, #tpu.memory_space<hbm>>
        tpu.wait_dma2 semaphore(%dma_wait3A_438 : memref<!tpu.dma_semaphore, #tpu.memory_space<semaphore_mem>>) src(%dma_wait3A_444 : memref<128xi32, #tpu.memory_space<hbm>>) dst(%dma_wait3A_441 : memref<128xi32, #tpu.memory_space<vmem>>)
        %dma_wait3A_445 = arith.constant 0 : i32
        %dma_wait3A_446 = arith.constant 0 : i32
        %dma_wait3A_447 = arith.constant 0 : i32
        %dma_wait3A_448 = tpu.memref_slice %arg8[%dma_wait3A_445, %dma_wait3A_447] : memref<2x128xi32, #tpu.memory_space<vmem>> -> memref<1x128xi32, #tpu.memory_space<vmem>>
        %dma_wait3A_449 = tpu.memref_squeeze %dma_wait3A_448 : memref<1x128xi32, #tpu.memory_space<vmem>> -> memref<128xi32, #tpu.memory_space<vmem>>
        %dma_wait3A_450 = arith.constant 0 : i32
        %dma_wait3A_451 = tpu.memref_slice %arg4[%add3A, %add3A_428, %dma_wait3A_450] : memref<32x80x128xi32, #tpu.memory_space<hbm>> -> memref<1x1x128xi32, #tpu.memory_space<hbm>>
        %dma_wait3A_452 = tpu.memref_squeeze %dma_wait3A_451 : memref<1x1x128xi32, #tpu.memory_space<hbm>> -> memref<128xi32, #tpu.memory_space<hbm>>
        %dma_wait3A_453 = tpu.memref_slice %arg12[%dma_wait3A_446] : memref<2x!tpu.dma_semaphore, #tpu.memory_space<semaphore_mem>> -> memref<1x!tpu.dma_semaphore, #tpu.memory_space<semaphore_mem>>
        %dma_wait3A_454 = tpu.memref_squeeze %dma_wait3A_453 : memref<1x!tpu.dma_semaphore, #tpu.memory_space<semaphore_mem>> -> memref<!tpu.dma_semaphore, #tpu.memory_space<semaphore_mem>>
        %dma_wait3A_455 = arith.constant 0 : i32
        %dma_wait3A_456 = tpu.memref_slice %arg8[%dma_wait3A_445, %dma_wait3A_455] : memref<2x128xi32, #tpu.memory_space<vmem>> -> memref<1x128xi32, #tpu.memory_space<vmem>>
        %dma_wait3A_457 = tpu.memref_squeeze %dma_wait3A_456 : memref<1x128xi32, #tpu.memory_space<vmem>> -> memref<128xi32, #tpu.memory_space<vmem>>
        %dma_wait3A_458 = arith.constant 0 : i32
        %dma_wait3A_459 = tpu.memref_slice %arg4[%add3A, %add3A_428, %dma_wait3A_458] : memref<32x80x128xi32, #tpu.memory_space<hbm>> -> memref<1x1x128xi32, #tpu.memory_space<hbm>>
        %dma_wait3A_460 = tpu.memref_squeeze %dma_wait3A_459 : memref<1x1x128xi32, #tpu.memory_space<hbm>> -> memref<128xi32, #tpu.memory_space<hbm>>
        tpu.wait_dma2 semaphore(%dma_wait3A_454 : memref<!tpu.dma_semaphore, #tpu.memory_space<semaphore_mem>>) src(%dma_wait3A_460 : memref<128xi32, #tpu.memory_space<hbm>>) dst(%dma_wait3A_457 : memref<128xi32, #tpu.memory_space<vmem>>)
        %dma_start3A_461 = arith.constant 0 : i32
        %dma_start3A_462 = arith.constant 0 : i32
        %dma_start3A_463 = arith.constant 0 : i32
        %dma_start3A_464 = arith.constant 0 : i32
        %dma_start3A_465 = arith.constant 0 : i32
        %dma_start3A_466 = tpu.memref_slice %arg9[%dma_start3A_462, %dma_start3A_464, %dma_start3A_465] : memref<2x128x128xf32, #tpu.memory_space<vmem>> -> memref<1x128x128xf32, #tpu.memory_space<vmem>>
        %dma_start3A_467 = tpu.memref_squeeze %dma_start3A_466 : memref<1x128x128xf32, #tpu.memory_space<vmem>> -> memref<128x128xf32, #tpu.memory_space<vmem>>
        %dma_start3A_468 = arith.constant 0 : i32
        %dma_start3A_469 = tpu.memref_slice %arg7[%dma_start3A_461, %dma_start3A_468] : memref<2x128xi32, #tpu.memory_space<vmem>> -> memref<1x128xi32, #tpu.memory_space<vmem>>
        %dma_start3A_470 = tpu.memref_squeeze %dma_start3A_469 : memref<1x128xi32, #tpu.memory_space<vmem>> -> memref<128xi32, #tpu.memory_space<vmem>>
        %dma_start3A_471 = arith.constant 0 : i32
        %dma_start3A_472 = arith.constant 0 : i32
        %dma_start3A_473 = tpu.memref_slice %arg2[%dma_start3A_471, %dma_start3A_472] : memref<10240x128xf32, #tpu.memory_space<hbm>> -> memref<10240x128xf32, #tpu.memory_space<hbm>>
        %dma_start3A_474 = tpu.memref_slice %arg13[%dma_start3A_463] : memref<2x!tpu.dma_semaphore, #tpu.memory_space<semaphore_mem>> -> memref<1x!tpu.dma_semaphore, #tpu.memory_space<semaphore_mem>>
        %dma_start3A_475 = tpu.memref_squeeze %dma_start3A_474 : memref<1x!tpu.dma_semaphore, #tpu.memory_space<semaphore_mem>> -> memref<!tpu.dma_semaphore, #tpu.memory_space<semaphore_mem>>
        tpu.enqueue_indirect_dma source(%dma_start3A_473 : memref<10240x128xf32, #tpu.memory_space<hbm>>) target(%dma_start3A_467 : memref<128x128xf32, #tpu.memory_space<vmem>>) offsets(%dma_start3A_470 : memref<128xi32, #tpu.memory_space<vmem>>) semaphore(%dma_start3A_475 : memref<!tpu.dma_semaphore, #tpu.memory_space<semaphore_mem>>)
      } else {
      }
    }
    %while3A_323 = arith.constant 1 : i32
    scf.for %while3A_327 = %while3A_321 to %while3A_317 step %while3A_323  : i32 {
      %mul3A_328 = arith.constant 2 : i32
      %mul3A_329 = arith.muli %while3A_327, %mul3A_328 : i32
      %dma_wait3A_330 = arith.constant 0 : i32
      %dma_wait3A_331 = arith.constant 0 : i32
      %dma_wait3A_332 = arith.constant 0 : i32
      %dma_wait3A_333 = arith.constant 0 : i32
      %dma_wait3A_334 = arith.constant 0 : i32
      %dma_wait3A_335 = tpu.memref_slice %arg9[%dma_wait3A_331, %dma_wait3A_333, %dma_wait3A_334] : memref<2x128x128xf32, #tpu.memory_space<vmem>> -> memref<1x128x128xf32, #tpu.memory_space<vmem>>
      %dma_wait3A_336 = tpu.memref_squeeze %dma_wait3A_335 : memref<1x128x128xf32, #tpu.memory_space<vmem>> -> memref<128x128xf32, #tpu.memory_space<vmem>>
      %dma_wait3A_337 = arith.constant 0 : i32
      %dma_wait3A_338 = tpu.memref_slice %arg7[%dma_wait3A_330, %dma_wait3A_337] : memref<2x128xi32, #tpu.memory_space<vmem>> -> memref<1x128xi32, #tpu.memory_space<vmem>>
      %dma_wait3A_339 = tpu.memref_squeeze %dma_wait3A_338 : memref<1x128xi32, #tpu.memory_space<vmem>> -> memref<128xi32, #tpu.memory_space<vmem>>
      %dma_wait3A_340 = arith.constant 0 : i32
      %dma_wait3A_341 = arith.constant 0 : i32
      %dma_wait3A_342 = tpu.memref_slice %arg2[%dma_wait3A_340, %dma_wait3A_341] : memref<10240x128xf32, #tpu.memory_space<hbm>> -> memref<10240x128xf32, #tpu.memory_space<hbm>>
      %dma_wait3A_343 = tpu.memref_slice %arg13[%dma_wait3A_332] : memref<2x!tpu.dma_semaphore, #tpu.memory_space<semaphore_mem>> -> memref<1x!tpu.dma_semaphore, #tpu.memory_space<semaphore_mem>>
      %dma_wait3A_344 = tpu.memref_squeeze %dma_wait3A_343 : memref<1x!tpu.dma_semaphore, #tpu.memory_space<semaphore_mem>> -> memref<!tpu.dma_semaphore, #tpu.memory_space<semaphore_mem>>
      tpu.wait_indirect_dma semaphore(%dma_wait3A_344 : memref<!tpu.dma_semaphore, #tpu.memory_space<semaphore_mem>>) src(%dma_wait3A_342 : memref<10240x128xf32, #tpu.memory_space<hbm>>) dst(%dma_wait3A_336 : memref<128x128xf32, #tpu.memory_space<vmem>>)
      %run_scoped3A = arith.constant 0 : i32
      %run_scoped3A_345 = arith.constant 0 : i32
      "tpu.region"() ({
        %run_scoped3A_427 = tpu.sem_alloc : memref<!tpu.dma_semaphore, #tpu.memory_space<semaphore_mem>>
        %dma_start3A_428 = arith.constant 0 : i32
        %dma_start3A_429 = arith.constant 0 : i32
        %dma_start3A_430 = tpu.memref_slice %arg9[%run_scoped3A, %dma_start3A_428, %dma_start3A_429] : memref<2x128x128xf32, #tpu.memory_space<vmem>> -> memref<1x128x128xf32, #tpu.memory_space<vmem>>
        %dma_start3A_431 = tpu.memref_squeeze %dma_start3A_430 : memref<1x128x128xf32, #tpu.memory_space<vmem>> -> memref<128x128xf32, #tpu.memory_space<vmem>>
        %dma_start3A_432 = arith.constant 0 : i32
        %dma_start3A_433 = tpu.memref_slice %arg8[%run_scoped3A_345, %dma_start3A_432] : memref<2x128xi32, #tpu.memory_space<vmem>> -> memref<1x128xi32, #tpu.memory_space<vmem>>
        %dma_start3A_434 = tpu.memref_squeeze %dma_start3A_433 : memref<1x128xi32, #tpu.memory_space<vmem>> -> memref<128xi32, #tpu.memory_space<vmem>>
        %dma_start3A_435 = arith.constant 0 : i32
        %dma_start3A_436 = arith.constant 0 : i32
        %dma_start3A_437 = tpu.memref_slice %arg11[%dma_start3A_435, %dma_start3A_436] : memref<10240x128xf32, #tpu.memory_space<vmem_shared>> -> memref<10240x128xf32, #tpu.memory_space<vmem_shared>>
        tpu.enqueue_indirect_dma source(%dma_start3A_431 : memref<128x128xf32, #tpu.memory_space<vmem>>) target(%dma_start3A_437 : memref<10240x128xf32, #tpu.memory_space<vmem_shared>>) offsets(%dma_start3A_434 : memref<128xi32, #tpu.memory_space<vmem>>) semaphore(%run_scoped3A_427 : memref<!tpu.dma_semaphore, #tpu.memory_space<semaphore_mem>>) {add = true}
        %dma_wait3A_438 = arith.constant 0 : i32
        %dma_wait3A_439 = arith.constant 0 : i32
        %dma_wait3A_440 = tpu.memref_slice %arg9[%run_scoped3A, %dma_wait3A_438, %dma_wait3A_439] : memref<2x128x128xf32, #tpu.memory_space<vmem>> -> memref<1x128x128xf32, #tpu.memory_space<vmem>>
        %dma_wait3A_441 = tpu.memref_squeeze %dma_wait3A_440 : memref<1x128x128xf32, #tpu.memory_space<vmem>> -> memref<128x128xf32, #tpu.memory_space<vmem>>
        %dma_wait3A_442 = arith.constant 0 : i32
        %dma_wait3A_443 = tpu.memref_slice %arg8[%run_scoped3A_345, %dma_wait3A_442] : memref<2x128xi32, #tpu.memory_space<vmem>> -> memref<1x128xi32, #tpu.memory_space<vmem>>
        %dma_wait3A_444 = tpu.memref_squeeze %dma_wait3A_443 : memref<1x128xi32, #tpu.memory_space<vmem>> -> memref<128xi32, #tpu.memory_space<vmem>>
        %dma_wait3A_445 = arith.constant 0 : i32
        %dma_wait3A_446 = arith.constant 0 : i32
        %dma_wait3A_447 = tpu.memref_slice %arg11[%dma_wait3A_445, %dma_wait3A_446] : memref<10240x128xf32, #tpu.memory_space<vmem_shared>> -> memref<10240x128xf32, #tpu.memory_space<vmem_shared>>
        tpu.wait_indirect_dma semaphore(%run_scoped3A_427 : memref<!tpu.dma_semaphore, #tpu.memory_space<semaphore_mem>>) src(%dma_wait3A_441 : memref<128x128xf32, #tpu.memory_space<vmem>>) dst(%dma_wait3A_447 : memref<10240x128xf32, #tpu.memory_space<vmem_shared>>)
        tpu.yield
      }) : () -> ()
      %add3A_346 = arith.constant 2 : i32
      %add3A_347 = arith.addi %mul3A_329, %add3A_346 : i32
      %lt3A = arith.cmpi slt, %add3A_347, %reduce_max3A_8 : i32
      %convert_element_type3A = arith.extui %lt3A : i1 to i32
      %cond3A = arith.constant 0 : i32
      %cond3A_348 = arith.cmpi ne, %convert_element_type3A, %cond3A : i32
      scf.if %cond3A_348 {
        %add3A_427 = arith.constant 2 : i32
        %add3A_428 = arith.addi %mul3A_329, %add3A_427 : i32
        %dma_start3A_429 = arith.constant 0 : i32
        %dma_start3A_430 = arith.constant 0 : i32
        %dma_start3A_431 = arith.constant 0 : i32
        %dma_start3A_432 = tpu.memref_slice %arg7[%dma_start3A_429, %dma_start3A_431] : memref<2x128xi32, #tpu.memory_space<vmem>> -> memref<1x128xi32, #tpu.memory_space<vmem>>
        %dma_start3A_433 = tpu.memref_squeeze %dma_start3A_432 : memref<1x128xi32, #tpu.memory_space<vmem>> -> memref<128xi32, #tpu.memory_space<vmem>>
        %dma_start3A_434 = arith.constant 0 : i32
        %dma_start3A_435 = tpu.memref_slice %arg3[%add3A, %add3A_428, %dma_start3A_434] : memref<32x80x128xi32, #tpu.memory_space<hbm>> -> memref<1x1x128xi32, #tpu.memory_space<hbm>>
        %dma_start3A_436 = tpu.memref_squeeze %dma_start3A_435 : memref<1x1x128xi32, #tpu.memory_space<hbm>> -> memref<128xi32, #tpu.memory_space<hbm>>
        %dma_start3A_437 = tpu.memref_slice %arg12[%dma_start3A_430] : memref<2x!tpu.dma_semaphore, #tpu.memory_space<semaphore_mem>> -> memref<1x!tpu.dma_semaphore, #tpu.memory_space<semaphore_mem>>
        %dma_start3A_438 = tpu.memref_squeeze %dma_start3A_437 : memref<1x!tpu.dma_semaphore, #tpu.memory_space<semaphore_mem>> -> memref<!tpu.dma_semaphore, #tpu.memory_space<semaphore_mem>>
        %dma_start3A_439 = arith.constant 0 : i32
        %dma_start3A_440 = tpu.memref_slice %arg7[%dma_start3A_429, %dma_start3A_439] : memref<2x128xi32, #tpu.memory_space<vmem>> -> memref<1x128xi32, #tpu.memory_space<vmem>>
        %dma_start3A_441 = tpu.memref_squeeze %dma_start3A_440 : memref<1x128xi32, #tpu.memory_space<vmem>> -> memref<128xi32, #tpu.memory_space<vmem>>
        %dma_start3A_442 = arith.constant 0 : i32
        %dma_start3A_443 = tpu.memref_slice %arg3[%add3A, %add3A_428, %dma_start3A_442] : memref<32x80x128xi32, #tpu.memory_space<hbm>> -> memref<1x1x128xi32, #tpu.memory_space<hbm>>
        %dma_start3A_444 = tpu.memref_squeeze %dma_start3A_443 : memref<1x1x128xi32, #tpu.memory_space<hbm>> -> memref<128xi32, #tpu.memory_space<hbm>>
        tpu.enqueue_dma source(%dma_start3A_444 : memref<128xi32, #tpu.memory_space<hbm>>) target(%dma_start3A_441 : memref<128xi32, #tpu.memory_space<vmem>>) target_semaphore(%dma_start3A_438 : memref<!tpu.dma_semaphore, #tpu.memory_space<semaphore_mem>>)
        %dma_start3A_445 = arith.constant 0 : i32
        %dma_start3A_446 = arith.constant 0 : i32
        %dma_start3A_447 = arith.constant 0 : i32
        %dma_start3A_448 = tpu.memref_slice %arg8[%dma_start3A_445, %dma_start3A_447] : memref<2x128xi32, #tpu.memory_space<vmem>> -> memref<1x128xi32, #tpu.memory_space<vmem>>
        %dma_start3A_449 = tpu.memref_squeeze %dma_start3A_448 : memref<1x128xi32, #tpu.memory_space<vmem>> -> memref<128xi32, #tpu.memory_space<vmem>>
        %dma_start3A_450 = arith.constant 0 : i32
        %dma_start3A_451 = tpu.memref_slice %arg4[%add3A, %add3A_428, %dma_start3A_450] : memref<32x80x128xi32, #tpu.memory_space<hbm>> -> memref<1x1x128xi32, #tpu.memory_space<hbm>>
        %dma_start3A_452 = tpu.memref_squeeze %dma_start3A_451 : memref<1x1x128xi32, #tpu.memory_space<hbm>> -> memref<128xi32, #tpu.memory_space<hbm>>
        %dma_start3A_453 = tpu.memref_slice %arg12[%dma_start3A_446] : memref<2x!tpu.dma_semaphore, #tpu.memory_space<semaphore_mem>> -> memref<1x!tpu.dma_semaphore, #tpu.memory_space<semaphore_mem>>
        %dma_start3A_454 = tpu.memref_squeeze %dma_start3A_453 : memref<1x!tpu.dma_semaphore, #tpu.memory_space<semaphore_mem>> -> memref<!tpu.dma_semaphore, #tpu.memory_space<semaphore_mem>>
        %dma_start3A_455 = arith.constant 0 : i32
        %dma_start3A_456 = tpu.memref_slice %arg8[%dma_start3A_445, %dma_start3A_455] : memref<2x128xi32, #tpu.memory_space<vmem>> -> memref<1x128xi32, #tpu.memory_space<vmem>>
        %dma_start3A_457 = tpu.memref_squeeze %dma_start3A_456 : memref<1x128xi32, #tpu.memory_space<vmem>> -> memref<128xi32, #tpu.memory_space<vmem>>
        %dma_start3A_458 = arith.constant 0 : i32
        %dma_start3A_459 = tpu.memref_slice %arg4[%add3A, %add3A_428, %dma_start3A_458] : memref<32x80x128xi32, #tpu.memory_space<hbm>> -> memref<1x1x128xi32, #tpu.memory_space<hbm>>
        %dma_start3A_460 = tpu.memref_squeeze %dma_start3A_459 : memref<1x1x128xi32, #tpu.memory_space<hbm>> -> memref<128xi32, #tpu.memory_space<hbm>>
        tpu.enqueue_dma source(%dma_start3A_460 : memref<128xi32, #tpu.memory_space<hbm>>) target(%dma_start3A_457 : memref<128xi32, #tpu.memory_space<vmem>>) target_semaphore(%dma_start3A_454 : memref<!tpu.dma_semaphore, #tpu.memory_space<semaphore_mem>>)
      } else {
      }
      %add3A_349 = arith.constant 1 : i32
      %add3A_350 = arith.addi %mul3A_329, %add3A_349 : i32
      %dma_wait3A_351 = arith.constant 1 : i32
      %dma_wait3A_352 = arith.constant 1 : i32
      %dma_wait3A_353 = arith.constant 0 : i32
      %dma_wait3A_354 = tpu.memref_slice %arg7[%dma_wait3A_351, %dma_wait3A_353] : memref<2x128xi32, #tpu.memory_space<vmem>> -> memref<1x128xi32, #tpu.memory_space<vmem>>
      %dma_wait3A_355 = tpu.memref_squeeze %dma_wait3A_354 : memref<1x128xi32, #tpu.memory_space<vmem>> -> memref<128xi32, #tpu.memory_space<vmem>>
      %dma_wait3A_356 = arith.constant 0 : i32
      %dma_wait3A_357 = tpu.memref_slice %arg3[%add3A, %add3A_350, %dma_wait3A_356] : memref<32x80x128xi32, #tpu.memory_space<hbm>> -> memref<1x1x128xi32, #tpu.memory_space<hbm>>
      %dma_wait3A_358 = tpu.memref_squeeze %dma_wait3A_357 : memref<1x1x128xi32, #tpu.memory_space<hbm>> -> memref<128xi32, #tpu.memory_space<hbm>>
      %dma_wait3A_359 = tpu.memref_slice %arg12[%dma_wait3A_352] : memref<2x!tpu.dma_semaphore, #tpu.memory_space<semaphore_mem>> -> memref<1x!tpu.dma_semaphore, #tpu.memory_space<semaphore_mem>>
      %dma_wait3A_360 = tpu.memref_squeeze %dma_wait3A_359 : memref<1x!tpu.dma_semaphore, #tpu.memory_space<semaphore_mem>> -> memref<!tpu.dma_semaphore, #tpu.memory_space<semaphore_mem>>
      %dma_wait3A_361 = arith.constant 0 : i32
      %dma_wait3A_362 = tpu.memref_slice %arg7[%dma_wait3A_351, %dma_wait3A_361] : memref<2x128xi32, #tpu.memory_space<vmem>> -> memref<1x128xi32, #tpu.memory_space<vmem>>
      %dma_wait3A_363 = tpu.memref_squeeze %dma_wait3A_362 : memref<1x128xi32, #tpu.memory_space<vmem>> -> memref<128xi32, #tpu.memory_space<vmem>>
      %dma_wait3A_364 = arith.constant 0 : i32
      %dma_wait3A_365 = tpu.memref_slice %arg3[%add3A, %add3A_350, %dma_wait3A_364] : memref<32x80x128xi32, #tpu.memory_space<hbm>> -> memref<1x1x128xi32, #tpu.memory_space<hbm>>
      %dma_wait3A_366 = tpu.memref_squeeze %dma_wait3A_365 : memref<1x1x128xi32, #tpu.memory_space<hbm>> -> memref<128xi32, #tpu.memory_space<hbm>>
      tpu.wait_dma2 semaphore(%dma_wait3A_360 : memref<!tpu.dma_semaphore, #tpu.memory_space<semaphore_mem>>) src(%dma_wait3A_366 : memref<128xi32, #tpu.memory_space<hbm>>) dst(%dma_wait3A_363 : memref<128xi32, #tpu.memory_space<vmem>>)
      %dma_wait3A_367 = arith.constant 1 : i32
      %dma_wait3A_368 = arith.constant 1 : i32
      %dma_wait3A_369 = arith.constant 0 : i32
      %dma_wait3A_370 = tpu.memref_slice %arg8[%dma_wait3A_367, %dma_wait3A_369] : memref<2x128xi32, #tpu.memory_space<vmem>> -> memref<1x128xi32, #tpu.memory_space<vmem>>
      %dma_wait3A_371 = tpu.memref_squeeze %dma_wait3A_370 : memref<1x128xi32, #tpu.memory_space<vmem>> -> memref<128xi32, #tpu.memory_space<vmem>>
      %dma_wait3A_372 = arith.constant 0 : i32
      %dma_wait3A_373 = tpu.memref_slice %arg4[%add3A, %add3A_350, %dma_wait3A_372] : memref<32x80x128xi32, #tpu.memory_space<hbm>> -> memref<1x1x128xi32, #tpu.memory_space<hbm>>
      %dma_wait3A_374 = tpu.memref_squeeze %dma_wait3A_373 : memref<1x1x128xi32, #tpu.memory_space<hbm>> -> memref<128xi32, #tpu.memory_space<hbm>>
      %dma_wait3A_375 = tpu.memref_slice %arg12[%dma_wait3A_368] : memref<2x!tpu.dma_semaphore, #tpu.memory_space<semaphore_mem>> -> memref<1x!tpu.dma_semaphore, #tpu.memory_space<semaphore_mem>>
      %dma_wait3A_376 = tpu.memref_squeeze %dma_wait3A_375 : memref<1x!tpu.dma_semaphore, #tpu.memory_space<semaphore_mem>> -> memref<!tpu.dma_semaphore, #tpu.memory_space<semaphore_mem>>
      %dma_wait3A_377 = arith.constant 0 : i32
      %dma_wait3A_378 = tpu.memref_slice %arg8[%dma_wait3A_367, %dma_wait3A_377] : memref<2x128xi32, #tpu.memory_space<vmem>> -> memref<1x128xi32, #tpu.memory_space<vmem>>
      %dma_wait3A_379 = tpu.memref_squeeze %dma_wait3A_378 : memref<1x128xi32, #tpu.memory_space<vmem>> -> memref<128xi32, #tpu.memory_space<vmem>>
      %dma_wait3A_380 = arith.constant 0 : i32
      %dma_wait3A_381 = tpu.memref_slice %arg4[%add3A, %add3A_350, %dma_wait3A_380] : memref<32x80x128xi32, #tpu.memory_space<hbm>> -> memref<1x1x128xi32, #tpu.memory_space<hbm>>
      %dma_wait3A_382 = tpu.memref_squeeze %dma_wait3A_381 : memref<1x1x128xi32, #tpu.memory_space<hbm>> -> memref<128xi32, #tpu.memory_space<hbm>>
      tpu.wait_dma2 semaphore(%dma_wait3A_376 : memref<!tpu.dma_semaphore, #tpu.memory_space<semaphore_mem>>) src(%dma_wait3A_382 : memref<128xi32, #tpu.memory_space<hbm>>) dst(%dma_wait3A_379 : memref<128xi32, #tpu.memory_space<vmem>>)
      %dma_start3A_383 = arith.constant 1 : i32
      %dma_start3A_384 = arith.constant 1 : i32
      %dma_start3A_385 = arith.constant 1 : i32
      %dma_start3A_386 = arith.constant 0 : i32
      %dma_start3A_387 = arith.constant 0 : i32
      %dma_start3A_388 = tpu.memref_slice %arg9[%dma_start3A_384, %dma_start3A_386, %dma_start3A_387] : memref<2x128x128xf32, #tpu.memory_space<vmem>> -> memref<1x128x128xf32, #tpu.memory_space<vmem>>
      %dma_start3A_389 = tpu.memref_squeeze %dma_start3A_388 : memref<1x128x128xf32, #tpu.memory_space<vmem>> -> memref<128x128xf32, #tpu.memory_space<vmem>>
      %dma_start3A_390 = arith.constant 0 : i32
      %dma_start3A_391 = tpu.memref_slice %arg7[%dma_start3A_383, %dma_start3A_390] : memref<2x128xi32, #tpu.memory_space<vmem>> -> memref<1x128xi32, #tpu.memory_space<vmem>>
      %dma_start3A_392 = tpu.memref_squeeze %dma_start3A_391 : memref<1x128xi32, #tpu.memory_space<vmem>> -> memref<128xi32, #tpu.memory_space<vmem>>
      %dma_start3A_393 = arith.constant 0 : i32
      %dma_start3A_394 = arith.constant 0 : i32
      %dma_start3A_395 = tpu.memref_slice %arg2[%dma_start3A_393, %dma_start3A_394] : memref<10240x128xf32, #tpu.memory_space<hbm>> -> memref<10240x128xf32, #tpu.memory_space<hbm>>
      %dma_start3A_396 = tpu.memref_slice %arg13[%dma_start3A_385] : memref<2x!tpu.dma_semaphore, #tpu.memory_space<semaphore_mem>> -> memref<1x!tpu.dma_semaphore, #tpu.memory_space<semaphore_mem>>
      %dma_start3A_397 = tpu.memref_squeeze %dma_start3A_396 : memref<1x!tpu.dma_semaphore, #tpu.memory_space<semaphore_mem>> -> memref<!tpu.dma_semaphore, #tpu.memory_space<semaphore_mem>>
      tpu.enqueue_indirect_dma source(%dma_start3A_395 : memref<10240x128xf32, #tpu.memory_space<hbm>>) target(%dma_start3A_389 : memref<128x128xf32, #tpu.memory_space<vmem>>) offsets(%dma_start3A_392 : memref<128xi32, #tpu.memory_space<vmem>>) semaphore(%dma_start3A_397 : memref<!tpu.dma_semaphore, #tpu.memory_space<semaphore_mem>>)
      %dma_wait3A_398 = arith.constant 1 : i32
      %dma_wait3A_399 = arith.constant 1 : i32
      %dma_wait3A_400 = arith.constant 1 : i32
      %dma_wait3A_401 = arith.constant 0 : i32
      %dma_wait3A_402 = arith.constant 0 : i32
      %dma_wait3A_403 = tpu.memref_slice %arg9[%dma_wait3A_399, %dma_wait3A_401, %dma_wait3A_402] : memref<2x128x128xf32, #tpu.memory_space<vmem>> -> memref<1x128x128xf32, #tpu.memory_space<vmem>>
      %dma_wait3A_404 = tpu.memref_squeeze %dma_wait3A_403 : memref<1x128x128xf32, #tpu.memory_space<vmem>> -> memref<128x128xf32, #tpu.memory_space<vmem>>
      %dma_wait3A_405 = arith.constant 0 : i32
      %dma_wait3A_406 = tpu.memref_slice %arg7[%dma_wait3A_398, %dma_wait3A_405] : memref<2x128xi32, #tpu.memory_space<vmem>> -> memref<1x128xi32, #tpu.memory_space<vmem>>
      %dma_wait3A_407 = tpu.memref_squeeze %dma_wait3A_406 : memref<1x128xi32, #tpu.memory_space<vmem>> -> memref<128xi32, #tpu.memory_space<vmem>>
      %dma_wait3A_408 = arith.constant 0 : i32
      %dma_wait3A_409 = arith.constant 0 : i32
      %dma_wait3A_410 = tpu.memref_slice %arg2[%dma_wait3A_408, %dma_wait3A_409] : memref<10240x128xf32, #tpu.memory_space<hbm>> -> memref<10240x128xf32, #tpu.memory_space<hbm>>
      %dma_wait3A_411 = tpu.memref_slice %arg13[%dma_wait3A_400] : memref<2x!tpu.dma_semaphore, #tpu.memory_space<semaphore_mem>> -> memref<1x!tpu.dma_semaphore, #tpu.memory_space<semaphore_mem>>
      %dma_wait3A_412 = tpu.memref_squeeze %dma_wait3A_411 : memref<1x!tpu.dma_semaphore, #tpu.memory_space<semaphore_mem>> -> memref<!tpu.dma_semaphore, #tpu.memory_space<semaphore_mem>>
      tpu.wait_indirect_dma semaphore(%dma_wait3A_412 : memref<!tpu.dma_semaphore, #tpu.memory_space<semaphore_mem>>) src(%dma_wait3A_410 : memref<10240x128xf32, #tpu.memory_space<hbm>>) dst(%dma_wait3A_404 : memref<128x128xf32, #tpu.memory_space<vmem>>)
      %run_scoped3A_413 = arith.constant 1 : i32
      %run_scoped3A_414 = arith.constant 1 : i32
      "tpu.region"() ({
        %run_scoped3A_427 = tpu.sem_alloc : memref<!tpu.dma_semaphore, #tpu.memory_space<semaphore_mem>>
        %dma_start3A_428 = arith.constant 0 : i32
        %dma_start3A_429 = arith.constant 0 : i32
        %dma_start3A_430 = tpu.memref_slice %arg9[%run_scoped3A_413, %dma_start3A_428, %dma_start3A_429] : memref<2x128x128xf32, #tpu.memory_space<vmem>> -> memref<1x128x128xf32, #tpu.memory_space<vmem>>
        %dma_start3A_431 = tpu.memref_squeeze %dma_start3A_430 : memref<1x128x128xf32, #tpu.memory_space<vmem>> -> memref<128x128xf32, #tpu.memory_space<vmem>>
        %dma_start3A_432 = arith.constant 0 : i32
        %dma_start3A_433 = tpu.memref_slice %arg8[%run_scoped3A_414, %dma_start3A_432] : memref<2x128xi32, #tpu.memory_space<vmem>> -> memref<1x128xi32, #tpu.memory_space<vmem>>
        %dma_start3A_434 = tpu.memref_squeeze %dma_start3A_433 : memref<1x128xi32, #tpu.memory_space<vmem>> -> memref<128xi32, #tpu.memory_space<vmem>>
        %dma_start3A_435 = arith.constant 0 : i32
        %dma_start3A_436 = arith.constant 0 : i32
        %dma_start3A_437 = tpu.memref_slice %arg11[%dma_start3A_435, %dma_start3A_436] : memref<10240x128xf32, #tpu.memory_space<vmem_shared>> -> memref<10240x128xf32, #tpu.memory_space<vmem_shared>>
        tpu.enqueue_indirect_dma source(%dma_start3A_431 : memref<128x128xf32, #tpu.memory_space<vmem>>) target(%dma_start3A_437 : memref<10240x128xf32, #tpu.memory_space<vmem_shared>>) offsets(%dma_start3A_434 : memref<128xi32, #tpu.memory_space<vmem>>) semaphore(%run_scoped3A_427 : memref<!tpu.dma_semaphore, #tpu.memory_space<semaphore_mem>>) {add = true}
        %dma_wait3A_438 = arith.constant 0 : i32
        %dma_wait3A_439 = arith.constant 0 : i32
        %dma_wait3A_440 = tpu.memref_slice %arg9[%run_scoped3A_413, %dma_wait3A_438, %dma_wait3A_439] : memref<2x128x128xf32, #tpu.memory_space<vmem>> -> memref<1x128x128xf32, #tpu.memory_space<vmem>>
        %dma_wait3A_441 = tpu.memref_squeeze %dma_wait3A_440 : memref<1x128x128xf32, #tpu.memory_space<vmem>> -> memref<128x128xf32, #tpu.memory_space<vmem>>
        %dma_wait3A_442 = arith.constant 0 : i32
        %dma_wait3A_443 = tpu.memref_slice %arg8[%run_scoped3A_414, %dma_wait3A_442] : memref<2x128xi32, #tpu.memory_space<vmem>> -> memref<1x128xi32, #tpu.memory_space<vmem>>
        %dma_wait3A_444 = tpu.memref_squeeze %dma_wait3A_443 : memref<1x128xi32, #tpu.memory_space<vmem>> -> memref<128xi32, #tpu.memory_space<vmem>>
        %dma_wait3A_445 = arith.constant 0 : i32
        %dma_wait3A_446 = arith.constant 0 : i32
        %dma_wait3A_447 = tpu.memref_slice %arg11[%dma_wait3A_445, %dma_wait3A_446] : memref<10240x128xf32, #tpu.memory_space<vmem_shared>> -> memref<10240x128xf32, #tpu.memory_space<vmem_shared>>
        tpu.wait_indirect_dma semaphore(%run_scoped3A_427 : memref<!tpu.dma_semaphore, #tpu.memory_space<semaphore_mem>>) src(%dma_wait3A_441 : memref<128x128xf32, #tpu.memory_space<vmem>>) dst(%dma_wait3A_447 : memref<10240x128xf32, #tpu.memory_space<vmem_shared>>)
        tpu.yield
      }) : () -> ()
      %add3A_415 = arith.constant 3 : i32
      %add3A_416 = arith.addi %mul3A_329, %add3A_415 : i32
      %lt3A_417 = arith.cmpi slt, %add3A_416, %reduce_max3A_8 : i32
      %convert_element_type3A_418 = arith.extui %lt3A_417 : i1 to i32
      %cond3A_419 = arith.constant 0 : i32
      %cond3A_420 = arith.cmpi ne, %convert_element_type3A_418, %cond3A_419 : i32
      scf.if %cond3A_420 {
        %add3A_427 = arith.constant 3 : i32
        %add3A_428 = arith.addi %mul3A_329, %add3A_427 : i32
        %dma_start3A_429 = arith.constant 1 : i32
        %dma_start3A_430 = arith.constant 1 : i32
        %dma_start3A_431 = arith.constant 0 : i32
        %dma_start3A_432 = tpu.memref_slice %arg7[%dma_start3A_429, %dma_start3A_431] : memref<2x128xi32, #tpu.memory_space<vmem>> -> memref<1x128xi32, #tpu.memory_space<vmem>>
        %dma_start3A_433 = tpu.memref_squeeze %dma_start3A_432 : memref<1x128xi32, #tpu.memory_space<vmem>> -> memref<128xi32, #tpu.memory_space<vmem>>
        %dma_start3A_434 = arith.constant 0 : i32
        %dma_start3A_435 = tpu.memref_slice %arg3[%add3A, %add3A_428, %dma_start3A_434] : memref<32x80x128xi32, #tpu.memory_space<hbm>> -> memref<1x1x128xi32, #tpu.memory_space<hbm>>
        %dma_start3A_436 = tpu.memref_squeeze %dma_start3A_435 : memref<1x1x128xi32, #tpu.memory_space<hbm>> -> memref<128xi32, #tpu.memory_space<hbm>>
        %dma_start3A_437 = tpu.memref_slice %arg12[%dma_start3A_430] : memref<2x!tpu.dma_semaphore, #tpu.memory_space<semaphore_mem>> -> memref<1x!tpu.dma_semaphore, #tpu.memory_space<semaphore_mem>>
        %dma_start3A_438 = tpu.memref_squeeze %dma_start3A_437 : memref<1x!tpu.dma_semaphore, #tpu.memory_space<semaphore_mem>> -> memref<!tpu.dma_semaphore, #tpu.memory_space<semaphore_mem>>
        %dma_start3A_439 = arith.constant 0 : i32
        %dma_start3A_440 = tpu.memref_slice %arg7[%dma_start3A_429, %dma_start3A_439] : memref<2x128xi32, #tpu.memory_space<vmem>> -> memref<1x128xi32, #tpu.memory_space<vmem>>
        %dma_start3A_441 = tpu.memref_squeeze %dma_start3A_440 : memref<1x128xi32, #tpu.memory_space<vmem>> -> memref<128xi32, #tpu.memory_space<vmem>>
        %dma_start3A_442 = arith.constant 0 : i32
        %dma_start3A_443 = tpu.memref_slice %arg3[%add3A, %add3A_428, %dma_start3A_442] : memref<32x80x128xi32, #tpu.memory_space<hbm>> -> memref<1x1x128xi32, #tpu.memory_space<hbm>>
        %dma_start3A_444 = tpu.memref_squeeze %dma_start3A_443 : memref<1x1x128xi32, #tpu.memory_space<hbm>> -> memref<128xi32, #tpu.memory_space<hbm>>
        tpu.enqueue_dma source(%dma_start3A_444 : memref<128xi32, #tpu.memory_space<hbm>>) target(%dma_start3A_441 : memref<128xi32, #tpu.memory_space<vmem>>) target_semaphore(%dma_start3A_438 : memref<!tpu.dma_semaphore, #tpu.memory_space<semaphore_mem>>)
        %dma_start3A_445 = arith.constant 1 : i32
        %dma_start3A_446 = arith.constant 1 : i32
        %dma_start3A_447 = arith.constant 0 : i32
        %dma_start3A_448 = tpu.memref_slice %arg8[%dma_start3A_445, %dma_start3A_447] : memref<2x128xi32, #tpu.memory_space<vmem>> -> memref<1x128xi32, #tpu.memory_space<vmem>>
        %dma_start3A_449 = tpu.memref_squeeze %dma_start3A_448 : memref<1x128xi32, #tpu.memory_space<vmem>> -> memref<128xi32, #tpu.memory_space<vmem>>
        %dma_start3A_450 = arith.constant 0 : i32
        %dma_start3A_451 = tpu.memref_slice %arg4[%add3A, %add3A_428, %dma_start3A_450] : memref<32x80x128xi32, #tpu.memory_space<hbm>> -> memref<1x1x128xi32, #tpu.memory_space<hbm>>
        %dma_start3A_452 = tpu.memref_squeeze %dma_start3A_451 : memref<1x1x128xi32, #tpu.memory_space<hbm>> -> memref<128xi32, #tpu.memory_space<hbm>>
        %dma_start3A_453 = tpu.memref_slice %arg12[%dma_start3A_446] : memref<2x!tpu.dma_semaphore, #tpu.memory_space<semaphore_mem>> -> memref<1x!tpu.dma_semaphore, #tpu.memory_space<semaphore_mem>>
        %dma_start3A_454 = tpu.memref_squeeze %dma_start3A_453 : memref<1x!tpu.dma_semaphore, #tpu.memory_space<semaphore_mem>> -> memref<!tpu.dma_semaphore, #tpu.memory_space<semaphore_mem>>
        %dma_start3A_455 = arith.constant 0 : i32
        %dma_start3A_456 = tpu.memref_slice %arg8[%dma_start3A_445, %dma_start3A_455] : memref<2x128xi32, #tpu.memory_space<vmem>> -> memref<1x128xi32, #tpu.memory_space<vmem>>
        %dma_start3A_457 = tpu.memref_squeeze %dma_start3A_456 : memref<1x128xi32, #tpu.memory_space<vmem>> -> memref<128xi32, #tpu.memory_space<vmem>>
        %dma_start3A_458 = arith.constant 0 : i32
        %dma_start3A_459 = tpu.memref_slice %arg4[%add3A, %add3A_428, %dma_start3A_458] : memref<32x80x128xi32, #tpu.memory_space<hbm>> -> memref<1x1x128xi32, #tpu.memory_space<hbm>>
        %dma_start3A_460 = tpu.memref_squeeze %dma_start3A_459 : memref<1x1x128xi32, #tpu.memory_space<hbm>> -> memref<128xi32, #tpu.memory_space<hbm>>
        tpu.enqueue_dma source(%dma_start3A_460 : memref<128xi32, #tpu.memory_space<hbm>>) target(%dma_start3A_457 : memref<128xi32, #tpu.memory_space<vmem>>) target_semaphore(%dma_start3A_454 : memref<!tpu.dma_semaphore, #tpu.memory_space<semaphore_mem>>)
      } else {
      }
      %add3A_421 = arith.constant 2 : i32
      %add3A_422 = arith.addi %mul3A_329, %add3A_421 : i32
      %lt3A_423 = arith.cmpi slt, %add3A_422, %reduce_max3A_8 : i32
      %convert_element_type3A_424 = arith.extui %lt3A_423 : i1 to i32
      %cond3A_425 = arith.constant 0 : i32
      %cond3A_426 = arith.cmpi ne, %convert_element_type3A_424, %cond3A_425 : i32
      scf.if %cond3A_426 {
        %add3A_427 = arith.constant 2 : i32
        %add3A_428 = arith.addi %mul3A_329, %add3A_427 : i32
        %dma_wait3A_429 = arith.constant 0 : i32
        %dma_wait3A_430 = arith.constant 0 : i32
        %dma_wait3A_431 = arith.constant 0 : i32
        %dma_wait3A_432 = tpu.memref_slice %arg7[%dma_wait3A_429, %dma_wait3A_431] : memref<2x128xi32, #tpu.memory_space<vmem>> -> memref<1x128xi32, #tpu.memory_space<vmem>>
        %dma_wait3A_433 = tpu.memref_squeeze %dma_wait3A_432 : memref<1x128xi32, #tpu.memory_space<vmem>> -> memref<128xi32, #tpu.memory_space<vmem>>
        %dma_wait3A_434 = arith.constant 0 : i32
        %dma_wait3A_435 = tpu.memref_slice %arg3[%add3A, %add3A_428, %dma_wait3A_434] : memref<32x80x128xi32, #tpu.memory_space<hbm>> -> memref<1x1x128xi32, #tpu.memory_space<hbm>>
        %dma_wait3A_436 = tpu.memref_squeeze %dma_wait3A_435 : memref<1x1x128xi32, #tpu.memory_space<hbm>> -> memref<128xi32, #tpu.memory_space<hbm>>
        %dma_wait3A_437 = tpu.memref_slice %arg12[%dma_wait3A_430] : memref<2x!tpu.dma_semaphore, #tpu.memory_space<semaphore_mem>> -> memref<1x!tpu.dma_semaphore, #tpu.memory_space<semaphore_mem>>
        %dma_wait3A_438 = tpu.memref_squeeze %dma_wait3A_437 : memref<1x!tpu.dma_semaphore, #tpu.memory_space<semaphore_mem>> -> memref<!tpu.dma_semaphore, #tpu.memory_space<semaphore_mem>>
        %dma_wait3A_439 = arith.constant 0 : i32
        %dma_wait3A_440 = tpu.memref_slice %arg7[%dma_wait3A_429, %dma_wait3A_439] : memref<2x128xi32, #tpu.memory_space<vmem>> -> memref<1x128xi32, #tpu.memory_space<vmem>>
        %dma_wait3A_441 = tpu.memref_squeeze %dma_wait3A_440 : memref<1x128xi32, #tpu.memory_space<vmem>> -> memref<128xi32, #tpu.memory_space<vmem>>
        %dma_wait3A_442 = arith.constant 0 : i32
        %dma_wait3A_443 = tpu.memref_slice %arg3[%add3A, %add3A_428, %dma_wait3A_442] : memref<32x80x128xi32, #tpu.memory_space<hbm>> -> memref<1x1x128xi32, #tpu.memory_space<hbm>>
        %dma_wait3A_444 = tpu.memref_squeeze %dma_wait3A_443 : memref<1x1x128xi32, #tpu.memory_space<hbm>> -> memref<128xi32, #tpu.memory_space<hbm>>
        tpu.wait_dma2 semaphore(%dma_wait3A_438 : memref<!tpu.dma_semaphore, #tpu.memory_space<semaphore_mem>>) src(%dma_wait3A_444 : memref<128xi32, #tpu.memory_space<hbm>>) dst(%dma_wait3A_441 : memref<128xi32, #tpu.memory_space<vmem>>)
        %dma_wait3A_445 = arith.constant 0 : i32
        %dma_wait3A_446 = arith.constant 0 : i32
        %dma_wait3A_447 = arith.constant 0 : i32
        %dma_wait3A_448 = tpu.memref_slice %arg8[%dma_wait3A_445, %dma_wait3A_447] : memref<2x128xi32, #tpu.memory_space<vmem>> -> memref<1x128xi32, #tpu.memory_space<vmem>>
        %dma_wait3A_449 = tpu.memref_squeeze %dma_wait3A_448 : memref<1x128xi32, #tpu.memory_space<vmem>> -> memref<128xi32, #tpu.memory_space<vmem>>
        %dma_wait3A_450 = arith.constant 0 : i32
        %dma_wait3A_451 = tpu.memref_slice %arg4[%add3A, %add3A_428, %dma_wait3A_450] : memref<32x80x128xi32, #tpu.memory_space<hbm>> -> memref<1x1x128xi32, #tpu.memory_space<hbm>>
        %dma_wait3A_452 = tpu.memref_squeeze %dma_wait3A_451 : memref<1x1x128xi32, #tpu.memory_space<hbm>> -> memref<128xi32, #tpu.memory_space<hbm>>
        %dma_wait3A_453 = tpu.memref_slice %arg12[%dma_wait3A_446] : memref<2x!tpu.dma_semaphore, #tpu.memory_space<semaphore_mem>> -> memref<1x!tpu.dma_semaphore, #tpu.memory_space<semaphore_mem>>
        %dma_wait3A_454 = tpu.memref_squeeze %dma_wait3A_453 : memref<1x!tpu.dma_semaphore, #tpu.memory_space<semaphore_mem>> -> memref<!tpu.dma_semaphore, #tpu.memory_space<semaphore_mem>>
        %dma_wait3A_455 = arith.constant 0 : i32
        %dma_wait3A_456 = tpu.memref_slice %arg8[%dma_wait3A_445, %dma_wait3A_455] : memref<2x128xi32, #tpu.memory_space<vmem>> -> memref<1x128xi32, #tpu.memory_space<vmem>>
        %dma_wait3A_457 = tpu.memref_squeeze %dma_wait3A_456 : memref<1x128xi32, #tpu.memory_space<vmem>> -> memref<128xi32, #tpu.memory_space<vmem>>
        %dma_wait3A_458 = arith.constant 0 : i32
        %dma_wait3A_459 = tpu.memref_slice %arg4[%add3A, %add3A_428, %dma_wait3A_458] : memref<32x80x128xi32, #tpu.memory_space<hbm>> -> memref<1x1x128xi32, #tpu.memory_space<hbm>>
        %dma_wait3A_460 = tpu.memref_squeeze %dma_wait3A_459 : memref<1x1x128xi32, #tpu.memory_space<hbm>> -> memref<128xi32, #tpu.memory_space<hbm>>
        tpu.wait_dma2 semaphore(%dma_wait3A_454 : memref<!tpu.dma_semaphore, #tpu.memory_space<semaphore_mem>>) src(%dma_wait3A_460 : memref<128xi32, #tpu.memory_space<hbm>>) dst(%dma_wait3A_457 : memref<128xi32, #tpu.memory_space<vmem>>)
        %dma_start3A_461 = arith.constant 0 : i32
        %dma_start3A_462 = arith.constant 0 : i32
        %dma_start3A_463 = arith.constant 0 : i32
        %dma_start3A_464 = arith.constant 0 : i32
        %dma_start3A_465 = arith.constant 0 : i32
        %dma_start3A_466 = tpu.memref_slice %arg9[%dma_start3A_462, %dma_start3A_464, %dma_start3A_465] : memref<2x128x128xf32, #tpu.memory_space<vmem>> -> memref<1x128x128xf32, #tpu.memory_space<vmem>>
        %dma_start3A_467 = tpu.memref_squeeze %dma_start3A_466 : memref<1x128x128xf32, #tpu.memory_space<vmem>> -> memref<128x128xf32, #tpu.memory_space<vmem>>
        %dma_start3A_468 = arith.constant 0 : i32
        %dma_start3A_469 = tpu.memref_slice %arg7[%dma_start3A_461, %dma_start3A_468] : memref<2x128xi32, #tpu.memory_space<vmem>> -> memref<1x128xi32, #tpu.memory_space<vmem>>
        %dma_start3A_470 = tpu.memref_squeeze %dma_start3A_469 : memref<1x128xi32, #tpu.memory_space<vmem>> -> memref<128xi32, #tpu.memory_space<vmem>>
        %dma_start3A_471 = arith.constant 0 : i32
        %dma_start3A_472 = arith.constant 0 : i32
        %dma_start3A_473 = tpu.memref_slice %arg2[%dma_start3A_471, %dma_start3A_472] : memref<10240x128xf32, #tpu.memory_space<hbm>> -> memref<10240x128xf32, #tpu.memory_space<hbm>>
        %dma_start3A_474 = tpu.memref_slice %arg13[%dma_start3A_463] : memref<2x!tpu.dma_semaphore, #tpu.memory_space<semaphore_mem>> -> memref<1x!tpu.dma_semaphore, #tpu.memory_space<semaphore_mem>>
        %dma_start3A_475 = tpu.memref_squeeze %dma_start3A_474 : memref<1x!tpu.dma_semaphore, #tpu.memory_space<semaphore_mem>> -> memref<!tpu.dma_semaphore, #tpu.memory_space<semaphore_mem>>
        tpu.enqueue_indirect_dma source(%dma_start3A_473 : memref<10240x128xf32, #tpu.memory_space<hbm>>) target(%dma_start3A_467 : memref<128x128xf32, #tpu.memory_space<vmem>>) offsets(%dma_start3A_470 : memref<128xi32, #tpu.memory_space<vmem>>) semaphore(%dma_start3A_475 : memref<!tpu.dma_semaphore, #tpu.memory_space<semaphore_mem>>)
      } else {
      }
    }
    %barrier3A_324 = arith.constant 0 : index
    tpu.barrier barrier_id(%barrier3A_324)
    %mul3A_325 = arith.constant 640 : i32
    %mul3A_326 = arith.muli %arg1, %mul3A_325 : i32
    "tpu.region"() ({
      %run_scoped3A = tpu.sem_alloc : memref<!tpu.dma_semaphore, #tpu.memory_space<semaphore_mem>>
      %dma_start3A_327 = arith.constant 0 : i32
      %dma_start3A_328 = tpu.memref_slice %arg6[%arg0, %mul3A_326, %dma_start3A_327] : memref<2x10240x128xf32, #tpu.memory_space<hbm>> -> memref<1x640x128xf32, #tpu.memory_space<hbm>>
      %dma_start3A_329 = tpu.memref_squeeze %dma_start3A_328 : memref<1x640x128xf32, #tpu.memory_space<hbm>> -> memref<640x128xf32, #tpu.memory_space<hbm>>
      %dma_start3A_330 = arith.constant 0 : i32
      %dma_start3A_331 = tpu.memref_slice %arg11[%mul3A_326, %dma_start3A_330] : memref<10240x128xf32, #tpu.memory_space<vmem_shared>> -> memref<640x128xf32, #tpu.memory_space<vmem_shared>>
      tpu.enqueue_dma source(%dma_start3A_331 : memref<640x128xf32, #tpu.memory_space<vmem_shared>>) target(%dma_start3A_329 : memref<640x128xf32, #tpu.memory_space<hbm>>) target_semaphore(%run_scoped3A : memref<!tpu.dma_semaphore, #tpu.memory_space<semaphore_mem>>)
      %dma_wait3A_332 = arith.constant 0 : i32
      %dma_wait3A_333 = tpu.memref_slice %arg6[%arg0, %mul3A_326, %dma_wait3A_332] : memref<2x10240x128xf32, #tpu.memory_space<hbm>> -> memref<1x640x128xf32, #tpu.memory_space<hbm>>
      %dma_wait3A_334 = tpu.memref_squeeze %dma_wait3A_333 : memref<1x640x128xf32, #tpu.memory_space<hbm>> -> memref<640x128xf32, #tpu.memory_space<hbm>>
      %dma_wait3A_335 = arith.constant 0 : i32
      %dma_wait3A_336 = tpu.memref_slice %arg11[%mul3A_326, %dma_wait3A_335] : memref<10240x128xf32, #tpu.memory_space<vmem_shared>> -> memref<640x128xf32, #tpu.memory_space<vmem_shared>>
      tpu.wait_dma2 semaphore(%run_scoped3A : memref<!tpu.dma_semaphore, #tpu.memory_space<semaphore_mem>>) src(%dma_wait3A_336 : memref<640x128xf32, #tpu.memory_space<vmem_shared>>) dst(%dma_wait3A_334 : memref<640x128xf32, #tpu.memory_space<hbm>>)
      tpu.yield
    }) : () -> ()
    return
  }
}

</mosaic_0001>

<sc_bundles>
// kernel: _sc_agg.3.cloned.1.call-start
scs
__scs_entry_jumppad:
0x0: {  	(pc) =	sbr.rel $0x88, $3  }
0x1: {  	(tag) =	ssettag $0x0;
	lr =	simm.s32 $0x1  }
0x2: {  	[smem:$0x3F9D] =	sst lr;
	_ =	strace $0xD0000000  }
0x3: {  	_ = 	snop  }
0x4: {  	_ = 	snop  }
0x5: {  	_ = 	snop  }
0x6: {  	_ = 	snop  }
0x7: {  	_ = 	snop  }
__scs_overlays_trampoline_lowered:
0x8: {  	[smem:$0x3FAC] =	sst s0  }
0x9: {  	[smem:$0x3FAD] =	sst s1  }
0xa: {  	[smem:$0x3FAE] =	sst s2  }
0xb: {  	[smem:$0x3FAF] =	sst s3  }
0xc: {  	[smem:$0x3FB0] =	sst s4  }
0xd: {  	[smem:$0x3FB1] =	sst s5  }
0xe: {  	[smem:$0x3FB2] =	sst s6  }
0xf: {  	[smem:$0x3FB3] =	sst s7  }
0x10: {  	[smem:$0x3FB4] =	sst s8  }
0x11: {  	[smem:$0x3FB5] =	sst s9;
	s0 =	simm.s32 @!p0 $0x0  }
0x12: {  	s1 =	sld [smem:$0x3F9B];
	s0 =	simm.s32 @p0 $0x1  }
0x13: {  	[smem:$0x3FB6] =	sst s0;
	s0 =	simm.s32 @!p1 $0x0  }
0x14: {  	s2 =	sld [smem:$0x3F9A];
	s0 =	simm.s32 @p1 $0x1  }
0x15: {  	[smem:$0x3FB7] =	sst s0;
	s0 =	simm.s32 @!p2 $0x0  }
0x16: {  	s3 =	sld [smem:$0x3FDB];
	s0 =	simm.s32 @p2 $0x1  }
0x17: {  	s4 =	simm.s32 $0x1BF5;
	[smem:$0x3FB9] =	sst s0  }
0x18: {  	s0 =	sld [smem:$0x3F9C];
	_ =	swait.ge [sflag:s4], $0x0  }
0x19: {  	s7 =	sld [smem:$0x3F9D]  }
0x1a: {  	s8 =	sadd.s32 $0xFFFFE003, lr  }
0x1b: {  	s9 =	sadd.s32 $0xFFFFFEF7, lr;
	s5 =	simm.s32 $0xFFFFFFFF;
	p2 =	slt.u32 s8, $0xFFFFF086  }
0x1c: {  	p1 =	slt.u32 s9, $0xF7A;
	s5 =	simm.s32 @!p2 $0x0  }
0x1d: {  	s5 =	simm.s32 @p1 $0x1;
	p0 =	seq.s32 s7, s2  }
0x1e: {  	s7 =	smul.u32 @!p0 $0xF7A, s2;
	p2 =	seq.s32 @!p0 s5, $0x0  }
0x1f: {  	s9 =	smul.u32 $0xF7A, s1;
	s8 =	simm.s32 @!p0 $0x1BF5;
	p2 =	por !p2, p0  }
0x20: {  	[sflag:s8] =	ssyncset.s32 @!p0 $0xFFFFF086;
	s6 =	sadd.s32 @!p0 s3, s7;
	s7 =	simm.s32 @!p0 $0x108  }
0x21: {  	s3 =	sadd.s32 s3, s9;
	s6 =	sadd.s32 @!p0 $0x88, s6;
	s7 =	simm.s32 @p2 $0x1082  }
0x22: {  	[simem:s7], [sflag:s8] =	dma.local @!p0 [hbm:s6], $0xF7A  }
0x23: {  	s9 =	sor.u32 $0xD0000000, s2;
	s6 =	simm.s32 $0x108;
	_ =	swait.ge @!p0 [sflag:s8], $0x0  }
0x24: {  	s3 =	sadd.s32 $0x88, s3;
	s6 =	simm.s32 @!p1 $0x1082;
	[sflag:s4] =	ssyncset.s32 $0xFFFFF086  }
0x25: {  	[simem:s6], [sflag:s4] =	dma.local [hbm:s3], $0xF7A  }
0x26: {  	[smem:$0x3F9D] =	sst s1;
	(tag) =	ssettag s2;
	_ =	strace s9  }
0x27: {  	s1 =	sld [smem:$0x3FAD]  }
0x28: {  	s2 =	sld [smem:$0x3FAE]  }
0x29: {  	s4 =	sld [smem:$0x3FB0]  }
0x2a: {  	p0 =	seq.s32 s5, $0x0;
	s5 =	sld [smem:$0x3FB1]  }
0x2b: {  	s6 =	sld [smem:$0x3FB2]  }
0x2c: {  	s7 =	sld [smem:$0x3FB3]  }
0x2d: {  	s3 =	simm.s32 $0x108;
	s8 =	sld [smem:$0x3FB4]  }
0x2e: {  	s3 =	simm.s32 @!p0 $0x1082;
	s9 =	sld [smem:$0x3FB5]  }
0x2f: {  	lr =	sadd.s32 s0, s3;
	s0 =	sld [smem:$0x3FAC]  }
0x30: {  	s3 =	sld [smem:$0x3FAF]  }
0x31: {  	[smem:$0x3FB8] =	sst s10  }
0x32: {  	s10 =	sld [smem:$0x3FB6];
	_ =	sdelay $0x3  }
0x33: {  	p0 =	seq.s32 s10, $0x1;
	s10 =	sld [smem:$0x3FB8];
	_ =	sdelay $0x3  }
0x34: {  	[smem:$0x3FB8] =	sst s10  }
0x35: {  	s10 =	sld [smem:$0x3FB7];
	_ =	sdelay $0x3  }
0x36: {  	p1 =	seq.s32 s10, $0x1;
	s10 =	sld [smem:$0x3FB8];
	_ =	sdelay $0x3  }
0x37: {  	[smem:$0x3FB8] =	sst s10  }
0x38: {  	s10 =	sld [smem:$0x3FB9]  }
0x39: {  	_ = 	snop;
	(pc) =	sbr.ind lr, $3  }
0x3a: {  	_ = 	snop  }
0x3b: {  	_ = 	snop  }
0x3c: {  	p2 =	seq.s32 s10, $0x1;
	s10 =	sld [smem:$0x3FB8]  }
0x3d: {  	_ =	shalt  }
0x3e: {  	_ =	shalt  }
0x3f: {  	_ =	shalt  }
0x40: {  	_ =	shalt  }
0x41: {  	_ =	shalt  }
0x42: {  	_ =	shalt  }
0x43: {  	_ =	shalt  }
0x44: {  	_ =	shalt  }
0x45: {  	_ =	shalt  }
0x46: {  	_ =	shalt  }
0x47: {  	_ =	shalt  }
0x48: {  	_ =	shalt  }
0x49: {  	_ =	shalt  }
0x4a: {  	_ =	shalt  }
0x4b: {  	_ =	shalt  }
0x4c: {  	_ =	shalt  }
0x4d: {  	_ =	shalt  }
0x4e: {  	_ =	shalt  }
0x4f: {  	_ =	shalt  }
0x50: {  	_ =	shalt  }
0x51: {  	_ =	shalt  }
0x52: {  	_ =	shalt  }
0x53: {  	_ =	shalt  }
0x54: {  	_ =	shalt  }
0x55: {  	_ =	shalt  }
0x56: {  	_ =	shalt  }
0x57: {  	_ =	shalt  }
0x58: {  	_ =	shalt  }
0x59: {  	_ =	shalt  }
0x5a: {  	_ =	shalt  }
0x5b: {  	_ =	shalt  }
0x5c: {  	_ =	shalt  }
0x5d: {  	_ =	shalt  }
0x5e: {  	_ =	shalt  }
0x5f: {  	_ =	shalt  }
0x60: {  	_ =	shalt  }
0x61: {  	_ =	shalt  }
0x62: {  	_ =	shalt  }
0x63: {  	_ =	shalt  }
0x64: {  	_ =	shalt  }
0x65: {  	_ =	shalt  }
0x66: {  	_ =	shalt  }
0x67: {  	_ =	shalt  }
0x68: {  	_ =	shalt  }
0x69: {  	_ =	shalt  }
0x6a: {  	_ =	shalt  }
0x6b: {  	_ =	shalt  }
0x6c: {  	_ =	shalt  }
0x6d: {  	_ =	shalt  }
0x6e: {  	_ =	shalt  }
0x6f: {  	_ =	shalt  }
0x70: {  	_ =	shalt  }
0x71: {  	_ =	shalt  }
0x72: {  	_ =	shalt  }
0x73: {  	_ =	shalt  }
0x74: {  	_ =	shalt  }
0x75: {  	_ =	shalt  }
0x76: {  	_ =	shalt  }
0x77: {  	_ =	shalt  }
0x78: {  	_ =	shalt  }
0x79: {  	_ =	shalt  }
0x7a: {  	_ =	shalt  }
0x7b: {  	_ =	shalt  }
0x7c: {  	_ =	shalt  }
0x7d: {  	_ =	shalt  }
0x7e: {  	_ =	shalt  }
0x7f: {  	_ =	shalt  }
0x80: {  	_ =	shalt  }
0x81: {  	_ =	shalt  }
0x82: {  	_ =	shalt  }
0x83: {  	_ =	shalt  }
0x84: {  	_ =	shalt  }
0x85: {  	_ =	shalt  }
0x86: {  	_ =	shalt  }
0x87: {  	_ =	shalt  }
.Lfunc_end0:
.L_simem_size_0:
called_computation_lowered:
.L_overlay_start_0:
0x88: {  	s2 =	sld [smem:$0x3FD9]  }
0x89: {  	s3 =	sld [smem:$0x3FFE];
	_ =	sdelay $0x1  }
0x8a: {  	s1 =	srdreg.scid  }
0x8b: {  	s0 =	sand.u32 $0x1, s1  }
0x8c: {  	s17 =	sshll.u32 s0, $0xA;
	s2 =	sadd.s32 s3, s2  }
0x8d: {  	s2 =	sadd.s32 s2, s17  }
0x8e: {  	[smem:$0x3FC4] =	sst s2  }
0x8f: {  	_ = 	snop  }
0x90: {  	s2 =	sld [smem:$0x3FC9]  }
0x91: {  	s18 =	sld [smem:$0x3FC8]  }
0x92: {  	s4 =	sld [smem:$0x3FC7]  }
0x93: {  	s5 =	sld [smem:$0x3FD0];
	(tm) =	ssettm $0x1  }
0x94: {  	s6 =	sld [smem:$0x3FFB];
	_ =	sdelay $0x3  }
0x95: {  	_ =	strace s6  }
0x96: {  	s6 =	sld [smem:$0x3FFC];
	_ =	sdelay $0x3  }
0x97: {  	_ =	strace s6  }
0x98: {  	s6 =	sld [smem:$0x3FFD];
	_ =	sdelay $0x3  }
0x99: {  	_ =	strace s6  }
0x9a: {  	_ =	strace $0x8FFFFFFF  }
0x9b: {  	s19 =	sld [smem:$0x3FDB];
	_ =	sdelay $0x1  }
0x9c: {  	s7 =	simm.s32 $_scs_section_size  }
0x9d: {  	s8 =	simm.s32 $_size__tile_overlayer_lowered;
	s9 =	simm.s32 $_tile_overlayer_lowered  }
0x9e: {  	s22 =	simm.s32 $0x1BFF;
	s21 =	sshll.u32 s9, $0x1;
	s6 =	sadd.s32 s7, s19  }
0x9f: {  	s10 =	simm.s32 $0x0;
	s20 =	sshll.u32 s8, $0x1;
	s8 =	sadd.s32 s21, s6  }
0xa0: {  	[timem:s10], [sflag:s22] =	dma.local [hbm:s8], s20  }
0xa1: {  	_ =	swait.ge [sflag:s22], s20  }
0xa2: {  	s7 =	ssub.s32 $0x0, s20;
	[sflag:s22] =	ssyncset.done $0x0  }
0xa3: {  	[sflag:s22] =	ssyncadd.s32 s7;
	_ =	sdelay $0x1  }
0xa4: {  	s23 =	simm.s32 $0x1B8B  }
0xa5: {  	_ =	swait.ge [sflag:s23], $0x1  }
0xa6: {  	[sflag:s23] =	ssyncset.done $0x0  }
0xa7: {  	s25 =	simm.s32 $0x1B8E;
	s24 =	sld [smem:$0x3FFE];
	[sflag:s23] =	ssyncadd.s32 $0xFFFFFFFF  }
0xa8: {  	s26 =	simm.s32 $execute0_lowered;
	[smem:$0x3FD2] =	sst s25  }
0xa9: {  	s8 =	sshll.u32 s26, $0x1;
	_ =	strace $0x80000046;
	[dreg:$0x1] =	wrdreg $0xFFFFFFFF  }
0xaa: {  	s28 =	simm.s32 $_size_execute0_lowered;
	s6 =	sadd.s32 s6, s8;
	[dreg:$0x0] =	wrdreg $0x0  }
0xab: {  	s8 =	sshll.u32 s28, $0x1;
	[dreg:$0x2] =	wrdreg s6  }
0xac: {  	[dreg:$0x3] =	wrdreg s8  }
0xad: {  	[dreg:$0x4] =	wrdreg $0xC0  }
0xae: {  	_ =	task [dreg:s10], $0x5FFFF  }
0xaf: {  	[dreg:$0x1] =	wrdreg $0xFFFFFFFF  }
0xb0: {  	[dreg:$0x0] =	wrdreg $0x60  }
0xb1: {  	[dreg:$0x2] =	wrdreg s2  }
0xb2: {  	[dreg:$0x3] =	wrdreg s18  }
0xb3: {  	[dreg:$0x4] =	wrdreg s4  }
0xb4: {  	[dreg:$0x5] =	wrdreg s24  }
0xb5: {  	[dreg:$0x6] =	wrdreg s5  }
0xb6: {  	[dreg:$0x7] =	wrdreg $0x82800  }
0xb7: {  	[dreg:$0x8] =	wrdreg $0x9  }
0xb8: {  	_ =	task.clear_ibuf [dreg:s10], $0x9FFFF;
	_ =	strace $0x90000046  }
0xb9: {  	s29 =	simm.s32 $0x9;
	_ =	strace $0x80000048  }
0xba: {  	_ =	swait.ge [sflag:s29], $0x1  }
0xbb: {  	[sflag:s29] =	ssyncadd.s32 $0xFFFFFFFF  }
0xbc: {  	_ =	strace $0x90000048  }
0xbd: {  	_ =	sfence  }
0xbe: {  	s30 =	sld [smem:$0x0];
	_ =	sdelay $0x2  }
0xbf: {  	s31 =	sshll.u32 s1, $0xD;
	s1 =	sshrl.u32 s1, $0x2  }
0xc0: {  	s3 =	sand.u32 $0x4000, s31;
	s1 =	sadd.s32 s1, s30  }
0xc1: {  	s0 =	sor.u32 s3, s0;
	s1 =	sshll.u32 s1, $0x11  }
0xc2: {  	s0 =	sor.u32 s1, s0  }
0xc3: {  	s0 =	sadd.s32 $0x8F2B, s0  }
0xc4: {  	[sflag:s0] =	ssyncadd.remote.s32 $0x1  }
0xc5: {  	_ =	sfence.sel $0xFFFF  }
0xc6: {  	[dreg:$0x0] =	wrdreg $0xFFFFFFFF;
	(pc) =	sbr.abs _section_cstart, $3  }
0xc7: {  	[dreg:$0x1] =	wrdreg $0xFFFFFFFF  }
0xc8: {  	_ =	task.clear_ibuf [dreg:s10], $0x2FFFF;
	_ =	strace $0x9FFFFFFF  }
0xc9: {  	(tm) =	ssettm $0x7FFFFFFF  }
tec
execute0_lowered:
.L_overlay_start_1:
0x0: {  	(tag) =	ssettag $0x1  }
0x1: {  	s0 =	rddreg [dreg:$0x0]  }
0x2: {  	s1 =	rddreg [dreg:$0x1]  }
0x3: {  	s3 =	rddreg [dreg:$0x2]  }
0x4: {  	s2 =	rddreg [dreg:$0x3]  }
0x5: {  	s4 =	rddreg [dreg:$0x4];
	s6 =	srdreg.scid  }
0x6: {  	s12 =	stileid.u32;
	s5 =	rddreg [dreg:$0x5]  }
0x7: {  	s26 =	simm.s32 $0x100;
	s28 =	simm.s32 $0x3;
	s29 =	simm.s32 $0x2  }
0x8: {  	s30 =	simm.s32 $0x4200;
	s31 =	simm.s32 $0x4;
	s9 =	sand.u32 $0x1, s6  }
0x9: {  	s7 =	sshll.u32 s12, $0x1;
	s6 =	simm.s32 $0x0;
	s10 =	smul.u32 $0x50000, s12  }
0xa: {  	s18 =	smul.u32 $0x14000, s12;
	s7 =	sor.u32 s9, s7;
	[smem:$0x7FF] =	sst s6  }
0xb: {  	s16 =	ssub.s32 $0x2, s9;
	s9 =	smul.u32 $0x140000, s9;
	s8 =	sshll.u32 s7, $0x4  }
0xc: {  	_ =	strace $0x80000047;
	s10 =	sshrl.u32 s10, $0x2;
	s2 =	sadd.s32 s8, s2  }
0xd: {  	[dreg:$0x7] =	wrdreg s26;
	s8 =	sadd.s32 s10, s5;
	s2 =	sadd.s32 $0x400, s2  }
0xe: {  	s11 =	sshrl.u32 s16, $0x1;
	s17 =	sadd.s32 $0x4000, s8;
	[dreg:$0x8] =	wrdreg s2  }
0xf: {  	s7 =	smul.u32 $0x2800, s7;
	s10 =	sadd.s32 $0x8000, s8;
	[dreg:$0x9] =	wrdreg s17  }
0x10: {  	s26 =	simm.s32 $0x1;
	s19 =	sadd.s32 $0xC000, s8;
	[dreg:$0xa] =	wrdreg s10  }
0x11: {  	s11 =	ssub.s32 s16, s11;
	s21 =	sadd.s32 $0x10000, s8;
	[dreg:$0xb] =	wrdreg s19  }
0x12: {  	s20 =	sshrl.u32 s7, $0x3;
	s25 =	smax.u32 s11, $0x1;
	[dreg:$0xc] =	wrdreg s21  }
0x13: {  	s22 =	sadd.s32 s1, s20;
	s2 =	sadd.s32 s18, s9;
	s23 =	sadd.s32 s3, s20  }
0x14: {  	s24 =	sor.u32 $0x10, s20;
	[dreg:$0x12] =	wrdreg s25;
	s21 =	simm.s32 $0x6  }
.Ltmp0:
0x15: {  	s25 =	simm.s32 $0x5;
	[dreg:$0xd] =	wrdreg s22;
	(pc) =	sbr.rel .LBB2_1-.Ltmp0, $4  }
0x16: {  	[dreg:$0xe] =	wrdreg s23;
	s2 =	sshrl.u32 s2, $0x3;
	s10 =	sadd.s32 s1, s24  }
0x17: {  	s9 =	sadd.s32 s3, s24;
	s22 =	simm.s32 $0x200;
	[dreg:$0xf] =	wrdreg s10  }
0x18: {  	s23 =	simm.s32 $0x80;
	[dreg:$0x10] =	wrdreg s9;
	s2 =	sadd.s32 s4, s2  }
0x19: {  	v0 =	vimm.f32 $0.0e+00;
	s24 =	simm.s32 $0x180;
	s4 =	simm.s32 $0x0;
	[dreg:$0x11] =	wrdreg s2  }
.LBB2_6:
0x1a: {  	[sflag:s14] =	ssyncset.done @!p0 $0x0  }
0x1b: {  	[sflag:s14] =	ssyncadd.s32 @!p0 $0xFFFFFF80  }
0x1c: {  	[tilespmem:s13], [sflag:$0x3] =	stream.indirect.gather @!p0 [hbm4b:s0+s12], $0x80, s9, s12, $0xb8;
	[tilespmem:$0x1C280] =	vst v63  }
.LBB2_7:
0x1d: {  	s2 =	stileid.u32  }
0x1e: {  	[bflag:$0x0] =	sbarrier.arrive $0xFFFF;
	s2 =	sshll.u32 s2, $0x6  }
0x1f: {  	s9 =	sshrl.u32 s8, $0x3;
	s10 =	rddreg [dreg:$0x11];
	s2 =	sor.u32 $0x1C06, s2  }
0x20: {  	[hbm:s10], [sflag:s2] =	dma.local [spmem:s9], $0x2800  }
0x21: {  	_ =	swait.ge [sflag:s21], $0x2800  }
0x22: {  	s4 =	sadd.s32 $0x1, s4;
	s20 =	rddreg [dreg:$0x12]  }
0x23: {  	p0 =	sne.s32 s4, s20  }
.Ltmp1:
0x24: {  	_ = 	snop;
	(pc) =	sbr.rel @!p0 .LBB2_8-.Ltmp1, $3  }
0x25: {  	_ =	sdelay $0x1  }
0x26: {  	[sflag:s21] =	ssyncset.done $0x0  }
0x27: {  	[sflag:s21] =	ssyncadd.s32 $0xFFFFD800  }
.LBB2_1:
0x28: {  	s2 =	rddreg [dreg:$0x8];
	s9 =	simm.s32 $0x8200  }
0x29: {  	[tilespmem:s9], [sflag:$0x6] =	stream.linear.gather [hbm4b:s2+s6], $0x80, $0x38;
	[tilespmem:$0x1C280] =	vst v63  }
0x2a: {  	_ =	swait.ge [sflag:s21], $0x80  }
0x2b: {  	[sflag:s21] =	ssyncset.done $0x0  }
0x2c: {  	[sflag:s21] =	ssyncadd.s32 $0xFFFFFF80  }
0x2d: {  	s2 =	simm.s32 $0x0;
	s9 =	simm.s32 $0x200;
	v1 =	vld [tilespmem:$0x8200]  }
.LBB2_2:
0x2e: {  	p0 =	sne.s32 s9, $0xFE00;
	[tilespmem:s2+$0x270] =	vst v0  }
0x2f: {  	[tilespmem:s2+$0x200] =	vst v0  }
0x30: {  	[tilespmem:s2+$0x210] =	vst v0  }
.Ltmp2:
0x31: {  	[tilespmem:s2+$0x220] =	vst v0;
	(pc) =	sbr.rel @p0 .LBB2_2-.Ltmp2, $4  }
0x32: {  	[tilespmem:s2+$0x230] =	vst v0  }
0x33: {  	[tilespmem:s2+$0x240] =	vst v0  }
0x34: {  	[tilespmem:s2+$0x250] =	vst v0  }
0x35: {  	[tilespmem:s2+$0x260] =	vst v0;
	s2 =	sshra.s32 s9, $0x2;
	s9 =	sadd.s32 $0x200, s9  }
0x36: {  	[tilespmem:s2+$0x270] =	vst v0  }
0x37: {  	[tilespmem:s2+$0x200] =	vst v0  }
0x38: {  	v1 =	vxor.u32 $0x80000000, v1;
	[tilespmem:s2+$0x210] =	vst v0  }
0x39: {  	[tilespmem:s2+$0x220] =	vst v0;
	(xrf0) =	vmax.scan.msk.u32 $0xffff, v1  }
0x3a: {  	[tilespmem:s2+$0x230] =	vst v0  }
0x3b: {  	[tilespmem:s2+$0x240] =	vst v0  }
0x3c: {  	[tilespmem:s2+$0x250] =	vst v0  }
0x3d: {  	[tilespmem:s2+$0x260] =	vst v0  }
0x3e: {  	[spmem:s8] =	stream.linear.scatter [tilespmem:s22], [sflag:$0x5], $0x4000, $0x38;
	[tilespmem:$0x1C280] =	vst v63  }
0x3f: {  	s12 =	rddreg [dreg:$0x9];
	v1, _, _ =	vpop (xrf0)  }
0x40: {  	[spmem:s12] =	stream.linear.scatter [tilespmem:s22], [sflag:$0x5], $0x4000, $0x38;
	(v2sf) =	vpush v1, $0xF;
	[tilespmem:$0x1C280] =	vst v63  }
0x41: {  	s13 =	rddreg [dreg:$0xa]  }
0x42: {  	[spmem:s13] =	stream.linear.scatter [tilespmem:s22], [sflag:$0x5], $0x4000, $0x38;
	[tilespmem:$0x1C280] =	vst v63  }
0x43: {  	s14 =	rddreg [dreg:$0xb]  }
0x44: {  	[spmem:s14] =	stream.linear.scatter [tilespmem:s22], [sflag:$0x5], $0x4000, $0x38;
	[tilespmem:$0x1C280] =	vst v63  }
0x45: {  	s15 =	rddreg [dreg:$0xc]  }
0x46: {  	[spmem:s15] =	stream.linear.scatter [tilespmem:s22], [sflag:$0x5], $0x4000, $0x38;
	[tilespmem:$0x1C280] =	vst v63  }
0x47: {  	s16 =	rddreg [dreg:$0xd]  }
0x48: {  	[tilespmem:s6], [sflag:$0x1] =	stream.linear.gather [hbm4b:s16+s6], $0x80, $0x38;
	[tilespmem:$0x1C280] =	vst v63  }
0x49: {  	s2 =	simm.s32 $0x100;
	s9 =	rddreg [dreg:$0xe]  }
0x4a: {  	[tilespmem:s2], [sflag:$0x1] =	stream.linear.gather [hbm4b:s9+s6], $0x80, $0x38;
	[tilespmem:$0x1C280] =	vst v63  }
0x4b: {  	s17 =	rddreg [dreg:$0xf]  }
0x4c: {  	[tilespmem:s23], [sflag:$0x2] =	stream.linear.gather [hbm4b:s17+s6], $0x80, $0x38;
	[tilespmem:$0x1C280] =	vst v63  }
0x4d: {  	s10 =	rddreg [dreg:$0x10]  }
0x4e: {  	[tilespmem:s24], [sflag:$0x2] =	stream.linear.gather [hbm4b:s10+s6], $0x80, $0x38;
	[tilespmem:$0x1C280] =	vst v63  }
0x4f: {  	s18 =	spop (v2sf)  }
0x50: {  	_ =	swait.ge [sflag:s25], $0x4000  }
0x51: {  	[sflag:s25] =	ssyncset.done $0x0  }
0x52: {  	[sflag:s25] =	ssyncadd.s32 $0xFFFFC000  }
0x53: {  	_ =	swait.ge [sflag:s25], $0x4000  }
0x54: {  	[sflag:s25] =	ssyncset.done $0x0  }
0x55: {  	[sflag:s25] =	ssyncadd.s32 $0xFFFFC000  }
0x56: {  	_ =	swait.ge [sflag:s25], $0x4000  }
0x57: {  	[sflag:s25] =	ssyncset.done $0x0  }
0x58: {  	[sflag:s25] =	ssyncadd.s32 $0xFFFFC000  }
0x59: {  	_ =	swait.ge [sflag:s25], $0x4000  }
0x5a: {  	s10 =	simm.s32 $0x1;
	[sflag:s25] =	ssyncset.done $0x0  }
0x5b: {  	s20 =	sxor.u32 $0x80000000, s18;
	p1 =	sgt.s32 s18, $0xFFFFFFFF;
	[sflag:s25] =	ssyncadd.s32 $0xFFFFC000  }
0x5c: {  	s9 =	sand.u32 $0x1, s18;
	p0 =	slt.s32 s20, $0x1;
	_ =	swait.ge [sflag:s25], $0x4000  }
0x5d: {  	p6 =	seq.s32 s9, $0x1;
	p0 =	por p1, p0;
	[sflag:s25] =	ssyncset.done $0x0  }
0x5e: {  	s19 =	sshrl.u32 s20, $0x1F;
	p0 =	por !p0, !p6;
	[sflag:s25] =	ssyncadd.s32 $0xFFFFC000  }
0x5f: {  	s9 =	sadd.s32 s19, s20;
	p0 =	por !p0, !p0;
	_ =	swait.ge [sflag:s26], $0x80  }
0x60: {  	s9 =	sshra.s32 s9, $0x1;
	s10 =	simm.s32 @!p0 $0x0;
	[sflag:s26] =	ssyncset.done $0x0  }
0x61: {  	s10 =	ssub.s32 s9, s10;
	[sflag:s26] =	ssyncadd.s32 $0xFFFFFF80  }
0x62: {  	p0 =	slt.s32 s10, $0x1;
	_ =	swait.ge [sflag:s26], $0x80  }
.Ltmp3:
0x63: {  	[sflag:s26] =	ssyncset.done $0x0;
	(pc) =	sbr.rel @p0 .LBB2_7-.Ltmp3, $4  }
0x64: {  	[sflag:s26] =	ssyncadd.s32 $0xFFFFFF80  }
0x65: {  	[tilespmem:s22], [sflag:$0x3] =	stream.indirect.gather [hbm4b:s0+s23], $0x80, s6, s23, $0xb8;
	[tilespmem:$0x1C280] =	vst v63  }
0x66: {  	[bflag:$0x0] =	sbarrier.arrive $0xFFFF  }
0x67: {  	s11 =	simm.s32 $0x2  }
0x68: {  	_ =	swait.ge [sflag:s28], $0x4000;
	p0 =	sge.s32 s11, s20  }
0x69: {  	s9 =	rddreg [dreg:$0x7];
	[sflag:s28] =	ssyncset.done $0x0;
	s12 =	sand.u32 @!p0 $0xFFFFFC00, s2  }
0x6a: {  	s13 =	sand.u32 @!p0 $0x300, s2;
	[sflag:s28] =	ssyncadd.s32 $0xFFFFC000;
	s12 =	sadd.s32 @!p0 s7, s12  }
0x6b: {  	[spmem:s5] =	stream.indirect.scatter.add.f32 [tilespmem:s22], [sflag:$0x6], $0x80, s9, s23, $0xb8;
	[tilespmem:$0x1C280] =	vst v63  }
0x6c: {  	s9 =	sor.u32 @!p0 s13, s12;
	_ =	swait.ge [sflag:s21], $0x4000  }
0x6d: {  	s12 =	sshrl.u32 @!p0 s9, $0x3;
	[sflag:s21] =	ssyncset.done $0x0  }
0x6e: {  	s9 =	simm.s32 @!p0 $0x0;
	s13 =	sadd.s32 @!p0 s1, s12;
	[sflag:s21] =	ssyncadd.s32 $0xFFFFC000  }
0x6f: {  	[tilespmem:s9], [sflag:$0x1] =	stream.linear.gather @!p0 [hbm4b:s13+s9], $0x80, $0x38;
	[tilespmem:$0x1C280] =	vst v63  }
0x70: {  	s12 =	sadd.s32 @!p0 s3, s12;
	s13 =	simm.s32 @!p0 $0x100  }
0x71: {  	[tilespmem:s13], [sflag:$0x1] =	stream.linear.gather @!p0 [hbm4b:s12+s9], $0x80, $0x38;
	[tilespmem:$0x1C280] =	vst v63  }
0x72: {  	_ =	swait.ge [sflag:s29], $0x80  }
0x73: {  	[sflag:s29] =	ssyncset.done $0x0  }
0x74: {  	[sflag:s29] =	ssyncadd.s32 $0xFFFFFF80  }
0x75: {  	_ =	swait.ge [sflag:s29], $0x80  }
0x76: {  	s19 =	sadd.s32 $0x1, s11;
	[sflag:s29] =	ssyncset.done $0x0  }
0x77: {  	p1 =	sge.s32 s19, s20;
	[sflag:s29] =	ssyncadd.s32 $0xFFFFFF80  }
0x78: {  	[tilespmem:s30], [sflag:$0x4] =	stream.indirect.gather [hbm4b:s0+s23], $0x80, s23, s23, $0xb8;
	[tilespmem:$0x1C280] =	vst v63  }
0x79: {  	s12 =	sadd.s32 @!p1 $0x80, s2;
	_ =	swait.ge [sflag:s31], $0x4000  }
0x7a: {  	s13 =	sand.u32 @!p1 $0xFFFFFC00, s12;
	[sflag:s31] =	ssyncset.done $0x0  }
0x7b: {  	s12 =	sand.u32 @!p1 $0x380, s12;
	s13 =	sadd.s32 @!p1 s7, s13;
	[sflag:s31] =	ssyncadd.s32 $0xFFFFC000  }
0x7c: {  	[spmem:s5] =	stream.indirect.scatter.add.f32 [tilespmem:s30], [sflag:$0x6], $0x80, s24, s23, $0xb8;
	[tilespmem:$0x1C280] =	vst v63  }
0x7d: {  	s12 =	sor.u32 @!p1 s12, s13;
	_ =	swait.ge [sflag:s21], $0x4000  }
0x7e: {  	s15 =	simm.s32 @!p1 $0x0;
	s12 =	sshrl.u32 @!p1 s12, $0x3;
	[sflag:s21] =	ssyncset.done $0x0  }
0x7f: {  	s13 =	simm.s32 @!p1 $0x80;
	s14 =	sadd.s32 @!p1 s1, s12;
	[sflag:s21] =	ssyncadd.s32 $0xFFFFC000  }
0x80: {  	[tilespmem:s13], [sflag:$0x2] =	stream.linear.gather @!p1 [hbm4b:s14+s15], $0x80, $0x38;
	[tilespmem:$0x1C280] =	vst v63  }
0x81: {  	s10 =	sadd.s32 $0xFFFFFFFF, s10;
	s12 =	sadd.s32 @!p1 s3, s12;
	s13 =	simm.s32 @!p1 $0x180  }
0x82: {  	[tilespmem:s13], [sflag:$0x2] =	stream.linear.gather @!p1 [hbm4b:s12+s15], $0x80, $0x38;
	[tilespmem:$0x1C280] =	vst v63  }
0x83: {  	p1 =	sne.s32 s10, $0x0  }
.Ltmp4:
0x84: {  	s14 =	simm.s32 @!p0 $0x1;
	(pc) =	sbr.rel @!p1 .LBB2_6-.Ltmp4, $4  }
0x85: {  	_ =	swait.ge @!p0 [sflag:s14], $0x80  }
0x86: {  	[sflag:s14] =	ssyncset.done @!p0 $0x0  }
0x87: {  	s11 =	sadd.s32 $0x2, s11;
	[sflag:s14] =	ssyncadd.s32 @!p0 $0xFFFFFF80  }
0x88: {  	s12 =	simm.s32 @!p0 $0x80;
	s13 =	simm.s32 @!p0 $0x200;
	_ =	swait.ge @!p0 [sflag:s14], $0x80  }
.LBB2_5:
0x89: {  	[sflag:s14] =	ssyncset.done @!p0 $0x0  }
0x8a: {  	[sflag:s14] =	ssyncadd.s32 @!p0 $0xFFFFFF80  }
0x8b: {  	[tilespmem:s13], [sflag:$0x3] =	stream.indirect.gather @!p0 [hbm4b:s0+s12], $0x80, s9, s12, $0xb8;
	[tilespmem:$0x1C280] =	vst v63  }
0x8c: {  	s2 =	sadd.s32 $0x100, s2;
	p0 =	sge.s32 s11, s20;
	_ =	swait.ge [sflag:s28], $0x4000  }
0x8d: {  	s12 =	sand.u32 @!p0 $0xFFFFFC00, s2;
	s14 =	sand.u32 @!p0 $0x300, s2;
	[sflag:s28] =	ssyncset.done $0x0  }
0x8e: {  	s18 =	rddreg [dreg:$0x7];
	s15 =	sadd.s32 @!p0 s7, s12;
	[sflag:s28] =	ssyncadd.s32 $0xFFFFC000  }
0x8f: {  	[spmem:s5] =	stream.indirect.scatter.add.f32 [tilespmem:s22], [sflag:$0x6], $0x80, s18, s23, $0xb8;
	[tilespmem:$0x1C280] =	vst v63  }
0x90: {  	s9 =	sor.u32 @!p0 s14, s15;
	_ =	swait.ge [sflag:s21], $0x4000  }
0x91: {  	s14 =	sshrl.u32 @!p0 s9, $0x3;
	[sflag:s21] =	ssyncset.done $0x0  }
0x92: {  	s9 =	simm.s32 @!p0 $0x0;
	s15 =	sadd.s32 @!p0 s1, s14;
	[sflag:s21] =	ssyncadd.s32 $0xFFFFC000  }
0x93: {  	[tilespmem:s9], [sflag:$0x1] =	stream.linear.gather @!p0 [hbm4b:s15+s9], $0x80, $0x38;
	[tilespmem:$0x1C280] =	vst v63  }
0x94: {  	s14 =	sadd.s32 @!p0 s3, s14;
	s15 =	simm.s32 @!p0 $0x100  }
0x95: {  	[tilespmem:s15], [sflag:$0x1] =	stream.linear.gather @!p0 [hbm4b:s14+s9], $0x80, $0x38;
	[tilespmem:$0x1C280] =	vst v63  }
0x96: {  	_ =	swait.ge [sflag:s29], $0x80  }
0x97: {  	[sflag:s29] =	ssyncset.done $0x0  }
0x98: {  	[sflag:s29] =	ssyncadd.s32 $0xFFFFFF80  }
0x99: {  	_ =	swait.ge [sflag:s29], $0x80  }
0x9a: {  	s19 =	sadd.s32 $0x1, s11;
	[sflag:s29] =	ssyncset.done $0x0  }
0x9b: {  	p2 =	sge.s32 s19, s20;
	[sflag:s29] =	ssyncadd.s32 $0xFFFFFF80  }
0x9c: {  	[tilespmem:s30], [sflag:$0x4] =	stream.indirect.gather [hbm4b:s0+s23], $0x80, s23, s23, $0xb8;
	[tilespmem:$0x1C280] =	vst v63  }
0x9d: {  	s14 =	sadd.s32 @!p2 $0x80, s2;
	_ =	swait.ge [sflag:s31], $0x4000  }
0x9e: {  	s15 =	sand.u32 @!p2 $0xFFFFFC00, s14;
	[sflag:s31] =	ssyncset.done $0x0  }
0x9f: {  	s14 =	sand.u32 @!p2 $0x380, s14;
	s15 =	sadd.s32 @!p2 s7, s15;
	[sflag:s31] =	ssyncadd.s32 $0xFFFFC000  }
0xa0: {  	[spmem:s5] =	stream.indirect.scatter.add.f32 [tilespmem:s30], [sflag:$0x6], $0x80, s24, s23, $0xb8;
	[tilespmem:$0x1C280] =	vst v63  }
0xa1: {  	s10 =	sadd.s32 $0xFFFFFFFF, s10;
	s14 =	sor.u32 @!p2 s14, s15;
	_ =	swait.ge [sflag:s21], $0x4000  }
0xa2: {  	s16 =	simm.s32 @!p2 $0x0;
	s14 =	sshrl.u32 @!p2 s14, $0x3;
	[sflag:s21] =	ssyncset.done $0x0  }
0xa3: {  	s15 =	simm.s32 @!p2 $0x80;
	s17 =	sadd.s32 @!p2 s1, s14;
	[sflag:s21] =	ssyncadd.s32 $0xFFFFC000  }
0xa4: {  	[tilespmem:s15], [sflag:$0x2] =	stream.linear.gather @!p2 [hbm4b:s17+s16], $0x80, $0x38;
	[tilespmem:$0x1C280] =	vst v63  }
0xa5: {  	p1 =	sne.s32 s10, $0x0;
	s19 =	simm.s32 @!p2 $0x180;
	s18 =	sadd.s32 @!p2 s3, s14  }
0xa6: {  	[tilespmem:s19], [sflag:$0x2] =	stream.linear.gather @!p2 [hbm4b:s18+s16], $0x80, $0x38;
	[tilespmem:$0x1C280] =	vst v63  }
.Ltmp5:
0xa7: {  	s14 =	simm.s32 @!p0 $0x1;
	(pc) =	sbr.rel @p1 .LBB2_5-.Ltmp5, $4  }
0xa8: {  	_ =	swait.ge @!p0 [sflag:s14], $0x80  }
0xa9: {  	[sflag:s14] =	ssyncset.done @!p0 $0x0  }
0xaa: {  	s11 =	sadd.s32 $0x2, s11;
	[sflag:s14] =	ssyncadd.s32 @!p0 $0xFFFFFF80  }
0xab: {  	s13 =	simm.s32 @!p0 $0x200;
	s12 =	simm.s32 @!p0 $0x80;
	_ =	swait.ge @!p0 [sflag:s14], $0x80  }
.Ltmp6:
0xac: {  	_ = 	snop;
	(pc) =	sbr.rel .LBB2_6-.Ltmp6, $1  }
0xad: {  	_ =	sdelay $0x3  }
.LBB2_8:
0xae: {  	_ =	sfence.sel $0x180000  }
0xaf: {  	[bflag:$0x0] =	sbarrier.arrive $0xFFFF  }
0xb0: {  	_ =	strace $0x90000047  }
0xb1: {  	s0 =	stileid.u32;
	[bflag:$0x2] =	sbarrier.arrive $0xFFFF  }
0xb2: {  	p0 =	sne.s32 s0, $0x0;
	s0 =	rddreg [dreg:$0x6]  }
0xb3: {  	s0 =	sadd.s32 @!p0 $0x100000, s0  }
0xb4: {  	[sflag:s0] =	ssyncadd.tile.s32 @!p0 $0x1;
	_ =	shalt  }
.Lfunc_end2:
_tile_overlayer_lowered:
.L_overlay_start_2:
0xb5: {  	(tag) =	ssettag $0x2  }
0xb6: {  	s0 =	rddreg [dreg:$0x0];
	s2 =	stileid.u32  }
0xb7: {  	s1 =	rddreg [dreg:$0x1];
	p0 =	sne.s32 s2, $0x0  }
0xb8: {  	s3 =	rddreg [dreg:$0x2];
	[bflag:$0x3] =	sbarrier.arrive $0xFFFF;
	s2 =	simm.s32 @!p0 $0x1C06  }
0xb9: {  	[timem:s3], [sflag:s2] =	dma.local @!p0 [hbm:s0], s1  }
0xba: {  	s0 =	simm.s32 @!p0 $0x6  }
0xbb: {  	_ =	swait.ge @!p0 [sflag:s0], s1  }
0xbc: {  	s1 =	ssub.s32 @!p0 $0x0, s1;
	[sflag:s0] =	ssyncset.done @!p0 $0x0  }
0xbd: {  	[sflag:s0] =	ssyncadd.s32 @!p0 s1  }
0xbe: {  	[bflag:$0x3] =	sbarrier.arrive $0xFFFF  }
0xbf: {  	_ =	shalt  }

</sc_bundles>
